<compile_context>
chip_gen: v7x
topology: tpu7x:2x2x1
jax: 0.10.2.dev20260603
libtpu: 0.0.44.dev20260713+nightly
codegen_flags: <defaults>
</compile_context>

<pallas_src>
import functools

import jax
import jax.numpy as jnp
from jax import lax
from jax.experimental import pallas as pl
from jax.experimental.pallas import tpu as pltpu
from jax.experimental.pallas import tpu_sc as plsc

N, E, D = 10000, 320000, 128
NC, NS = 2, 16
C = 125
K = E // (NC * NS * C)
NB = 8
assert E == NC * NS * K * C and K % NB == 0
NP = 10240
RPT = NP // NS


def _sc_agg_body(xb_hbm, src_hbm, dst_hbm, zer_hbm, part_hbm,
                 sidx, didx, r0, r1, r2, r3, r4, r5, r6, r7, agg_sh,
                 s0, s1, s2, s3, s4, s5, s6, s7,
                 t0, t1, t2, t3, t4, t5, t6, t7):
    cid = lax.axis_index("c")
    sid = lax.axis_index("s")
    rows = (r0, r1, r2, r3, r4, r5, r6, r7)
    sems = (s0, s1, s2, s3, s4, s5, s6, s7)
    scs = (t0, t1, t2, t3, t4, t5, t6, t7)

    pltpu.sync_copy(src_hbm.at[cid, sid], sidx)
    pltpu.sync_copy(dst_hbm.at[cid, sid], didx)

    for b in range(NB):
        pltpu.async_copy(xb_hbm.at[sidx.at[b]], rows[b], sems[b])

    base = sid * RPT
    pltpu.sync_copy(zer_hbm, agg_sh.at[pl.ds(base, RPT)])

    plsc.subcore_barrier()

    @pl.loop(0, K - NB, step=NB)
    def _edges(j):
        for b in range(NB):
            pltpu.make_async_copy(xb_hbm.at[sidx.at[j + b]], rows[b], sems[b]).wait()
            pltpu.async_copy(rows[b], agg_sh.at[didx.at[j + b]], scs[b], add=True)
        for b in range(NB):
            pltpu.make_async_copy(xb_hbm.at[sidx.at[j + b]], rows[b], scs[b]).wait()
            pltpu.async_copy(xb_hbm.at[sidx.at[j + NB + b]], rows[b], sems[b])

    for b in range(NB):
        pltpu.make_async_copy(xb_hbm.at[sidx.at[K - NB + b]], rows[b], sems[b]).wait()
        pltpu.async_copy(rows[b], agg_sh.at[didx.at[K - NB + b]], scs[b], add=True)
    for b in range(NB):
        pltpu.make_async_copy(xb_hbm.at[sidx.at[K - NB + b]], rows[b], scs[b]).wait()

    plsc.subcore_barrier()

    pltpu.sync_copy(agg_sh.at[pl.ds(base, RPT)],
                    part_hbm.at[cid, pl.ds(base, RPT)])


_sc_agg = functools.partial(
    pl.kernel,
    out_type=jax.ShapeDtypeStruct((NC, NP, D), jnp.bfloat16),
    mesh=plsc.VectorSubcoreMesh(core_axis_name="c", subcore_axis_name="s"),
    scratch_types=[
        pltpu.VMEM((K, C), jnp.int32),
        pltpu.VMEM((K, C), jnp.int32),
        pltpu.VMEM((C, D), jnp.bfloat16),
        pltpu.VMEM((C, D), jnp.bfloat16),
        pltpu.VMEM((C, D), jnp.bfloat16),
        pltpu.VMEM((C, D), jnp.bfloat16),
        pltpu.VMEM((C, D), jnp.bfloat16),
        pltpu.VMEM((C, D), jnp.bfloat16),
        pltpu.VMEM((C, D), jnp.bfloat16),
        pltpu.VMEM((C, D), jnp.bfloat16),
        pltpu.VMEM_SHARED((NP, D), jnp.bfloat16),
        pltpu.SemaphoreType.DMA,
        pltpu.SemaphoreType.DMA,
        pltpu.SemaphoreType.DMA,
        pltpu.SemaphoreType.DMA,
        pltpu.SemaphoreType.DMA,
        pltpu.SemaphoreType.DMA,
        pltpu.SemaphoreType.DMA,
        pltpu.SemaphoreType.DMA,
        pltpu.SemaphoreType.DMA,
        pltpu.SemaphoreType.DMA,
        pltpu.SemaphoreType.DMA,
        pltpu.SemaphoreType.DMA,
        pltpu.SemaphoreType.DMA,
        pltpu.SemaphoreType.DMA,
        pltpu.SemaphoreType.DMA,
        pltpu.SemaphoreType.DMA,
    ],
    compiler_params=pltpu.CompilerParams(use_tc_tiling_on_sc=False),
)(_sc_agg_body)


BN = 2000


def _tc_body(p_ref, x_ref, wr_ref, wx_ref, b_ref, o_ref):
    agg = (p_ref[0] + p_ref[1]).astype(jnp.float32)
    dn = (((1,), (1,)), ((), ()))
    acc = lax.dot_general(agg, wr_ref[...], dn, preferred_element_type=jnp.float32)
    acc += lax.dot_general(x_ref[...], wx_ref[...], dn, preferred_element_type=jnp.float32)
    o_ref[...] = jnp.maximum(acc + b_ref[...], 0.0)


def kernel(x, edge_index, W_rel, b_rel, W_root):
    xb = x.astype(jnp.bfloat16)
    src = edge_index[0].reshape(NC, NS, K, C)
    dst = edge_index[1].reshape(NC, NS, K, C)
    zer = jnp.zeros((RPT, D), jnp.bfloat16)
    part = _sc_agg(xb, src, dst, zer)

    out = pl.pallas_call(
        _tc_body,
        grid=(N // BN,),
        in_specs=[
            pl.BlockSpec((NC, BN, D), lambda i: (0, i, 0)),
            pl.BlockSpec((BN, D), lambda i: (i, 0)),
            pl.BlockSpec((D, D), lambda i: (0, 0)),
            pl.BlockSpec((D, D), lambda i: (0, 0)),
            pl.BlockSpec((1, D), lambda i: (0, 0)),
        ],
        out_specs=pl.BlockSpec((BN, D), lambda i: (i, 0)),
        out_shape=jax.ShapeDtypeStruct((N, D), jnp.float32),
    )(part, x, W_rel, W_root, b_rel.reshape(1, D))
    return out

# --- scband reference (transcript-rebuilt; emitter-appended) ---
"""Pipeline reference for scband-gnnlayer-46273977647662 (READ-ONLY COPY).

The authoritative reference and input builder live on the scoring server;
editing this copy changes nothing except your own understanding.
"""

import jax, jax.numpy as jnp
import numpy as np

N, E, D_IN, D_OUT = 10000, 320000, 128, 128


def setup_inputs(seed: int = 0) -> dict:
    key = jax.random.key(seed)
    k1, k2, k3, k4, k5 = jax.random.split(key, 5)
    x = jax.random.normal(k1, (N, D_IN), dtype=jnp.float32)
    edge_index = jax.random.randint(k2, (2, E), 0, N, dtype=jnp.int32)
    scale = 1.0 / np.sqrt(D_IN)
    W_rel = jax.random.uniform(k3, (D_OUT, D_IN), dtype=jnp.float32, minval=-scale, maxval=scale)
    b_rel = jax.random.uniform(k4, (D_OUT,), dtype=jnp.float32, minval=-scale, maxval=scale)
    W_root = jax.random.uniform(k5, (D_OUT, D_IN), dtype=jnp.float32, minval=-scale, maxval=scale)
    return {"x": x, "edge_index": edge_index, "W_rel": W_rel, "b_rel": b_rel, "W_root": W_root}


def reference(x, edge_index, W_rel, b_rel, W_root):
    # PyG GraphConv: out = lin_rel(sum_{j in N(i)} x_j) + lin_root(x_i); then ReLU (dropout p=0 is identity)
    src = edge_index[0]
    dst = edge_index[1]
    msgs = jnp.take(x, src, axis=0)                      # gather  [E, D]
    agg = jax.ops.segment_sum(msgs, dst, num_segments=x.shape[0])  # scatter-add [N, D]
    out = agg @ W_rel.T + b_rel + x @ W_root.T
    out = jax.nn.relu(out)
    return out

if __name__ == "__main__":
    import jax
    _d = setup_inputs()
    print(jax.jit(kernel)(*tuple(_d.values())))

</pallas_src>

<mosaic_0001>
#map = affine_map<(d0, d1) -> (0, 0)>
#map1 = affine_map<(d0, d1) -> (0, 0, 0, 0)>
#map2 = affine_map<(d0, d1) -> (0, 0, 0)>
module attributes {stable_mosaic.version = 14 : i64} {
  func.func @_sc_agg_body(%arg0: i32, %arg1: i32, %arg2: memref<10000x128xbf16, #tpu.memory_space<hbm>>, %arg3: memref<2x16x80x125xi32, #tpu.memory_space<hbm>>, %arg4: memref<2x16x80x125xi32, #tpu.memory_space<hbm>>, %arg5: memref<640x128xbf16, #tpu.memory_space<hbm>>, %arg6: memref<2x10240x128xbf16, #tpu.memory_space<hbm>>, %arg7: memref<80x125xi32, #tpu.memory_space<vmem>>, %arg8: memref<80x125xi32, #tpu.memory_space<vmem>>, %arg9: memref<125x128xbf16, #tpu.memory_space<vmem>>, %arg10: memref<125x128xbf16, #tpu.memory_space<vmem>>, %arg11: memref<125x128xbf16, #tpu.memory_space<vmem>>, %arg12: memref<125x128xbf16, #tpu.memory_space<vmem>>, %arg13: memref<125x128xbf16, #tpu.memory_space<vmem>>, %arg14: memref<125x128xbf16, #tpu.memory_space<vmem>>, %arg15: memref<125x128xbf16, #tpu.memory_space<vmem>>, %arg16: memref<125x128xbf16, #tpu.memory_space<vmem>>, %arg17: memref<10240x128xbf16, #tpu.memory_space<vmem_shared>>, %arg18: memref<!tpu.dma_semaphore, #tpu.memory_space<semaphore_mem>>, %arg19: memref<!tpu.dma_semaphore, #tpu.memory_space<semaphore_mem>>, %arg20: memref<!tpu.dma_semaphore, #tpu.memory_space<semaphore_mem>>, %arg21: memref<!tpu.dma_semaphore, #tpu.memory_space<semaphore_mem>>, %arg22: memref<!tpu.dma_semaphore, #tpu.memory_space<semaphore_mem>>, %arg23: memref<!tpu.dma_semaphore, #tpu.memory_space<semaphore_mem>>, %arg24: memref<!tpu.dma_semaphore, #tpu.memory_space<semaphore_mem>>, %arg25: memref<!tpu.dma_semaphore, #tpu.memory_space<semaphore_mem>>, %arg26: memref<!tpu.dma_semaphore, #tpu.memory_space<semaphore_mem>>, %arg27: memref<!tpu.dma_semaphore, #tpu.memory_space<semaphore_mem>>, %arg28: memref<!tpu.dma_semaphore, #tpu.memory_space<semaphore_mem>>, %arg29: memref<!tpu.dma_semaphore, #tpu.memory_space<semaphore_mem>>, %arg30: memref<!tpu.dma_semaphore, #tpu.memory_space<semaphore_mem>>, %arg31: memref<!tpu.dma_semaphore, #tpu.memory_space<semaphore_mem>>, %arg32: memref<!tpu.dma_semaphore, #tpu.memory_space<semaphore_mem>>, %arg33: memref<!tpu.dma_semaphore, #tpu.memory_space<semaphore_mem>>) attributes {dimension_semantics = [#tpu.dimension_semantics<core_parallel>, #tpu.dimension_semantics<subcore_parallel>], iteration_bounds = array<i64: 2, 16>, scalar_prefetch = 0 : i64, scratch_operands = 27 : i64, tpu.core_type = #tpu.core_type<sc_vector_subcore>, window_params = [{transform_indices = #map}, {transform_indices = #map1}, {transform_indices = #map1}, {transform_indices = #map}, {transform_indices = #map2}]} {
    "tpu.region"() ({
      %run_scoped3A = tpu.sem_alloc : memref<!tpu.dma_semaphore, #tpu.memory_space<semaphore_mem>>
      %dma_start3A_228 = arith.constant 0 : i32
      %dma_start3A_229 = arith.constant 0 : i32
      %dma_start3A_230 = tpu.memref_slice %arg3[%arg0, %arg1, %dma_start3A_228, %dma_start3A_229] : memref<2x16x80x125xi32, #tpu.memory_space<hbm>> -> memref<1x1x80x125xi32, #tpu.memory_space<hbm>>
      %dma_start3A_231 = tpu.memref_squeeze %dma_start3A_230 : memref<1x1x80x125xi32, #tpu.memory_space<hbm>> -> memref<80x125xi32, #tpu.memory_space<hbm>>
      %dma_start3A_232 = arith.constant 0 : i32
      %dma_start3A_233 = arith.constant 0 : i32
      %dma_start3A_234 = tpu.memref_slice %arg3[%arg0, %arg1, %dma_start3A_232, %dma_start3A_233] : memref<2x16x80x125xi32, #tpu.memory_space<hbm>> -> memref<1x1x80x125xi32, #tpu.memory_space<hbm>>
      %dma_start3A_235 = tpu.memref_squeeze %dma_start3A_234 : memref<1x1x80x125xi32, #tpu.memory_space<hbm>> -> memref<80x125xi32, #tpu.memory_space<hbm>>
      tpu.enqueue_dma source(%dma_start3A_235 : memref<80x125xi32, #tpu.memory_space<hbm>>) target(%arg7 : memref<80x125xi32, #tpu.memory_space<vmem>>) target_semaphore(%run_scoped3A : memref<!tpu.dma_semaphore, #tpu.memory_space<semaphore_mem>>)
      %dma_wait3A_236 = arith.constant 0 : i32
      %dma_wait3A_237 = arith.constant 0 : i32
      %dma_wait3A_238 = tpu.memref_slice %arg3[%arg0, %arg1, %dma_wait3A_236, %dma_wait3A_237] : memref<2x16x80x125xi32, #tpu.memory_space<hbm>> -> memref<1x1x80x125xi32, #tpu.memory_space<hbm>>
      %dma_wait3A_239 = tpu.memref_squeeze %dma_wait3A_238 : memref<1x1x80x125xi32, #tpu.memory_space<hbm>> -> memref<80x125xi32, #tpu.memory_space<hbm>>
      %dma_wait3A_240 = arith.constant 0 : i32
      %dma_wait3A_241 = arith.constant 0 : i32
      %dma_wait3A_242 = tpu.memref_slice %arg3[%arg0, %arg1, %dma_wait3A_240, %dma_wait3A_241] : memref<2x16x80x125xi32, #tpu.memory_space<hbm>> -> memref<1x1x80x125xi32, #tpu.memory_space<hbm>>
      %dma_wait3A_243 = tpu.memref_squeeze %dma_wait3A_242 : memref<1x1x80x125xi32, #tpu.memory_space<hbm>> -> memref<80x125xi32, #tpu.memory_space<hbm>>
      tpu.wait_dma2 semaphore(%run_scoped3A : memref<!tpu.dma_semaphore, #tpu.memory_space<semaphore_mem>>) src(%dma_wait3A_243 : memref<80x125xi32, #tpu.memory_space<hbm>>) dst(%arg7 : memref<80x125xi32, #tpu.memory_space<vmem>>)
      tpu.yield
    }) : () -> ()
    "tpu.region"() ({
      %run_scoped3A = tpu.sem_alloc : memref<!tpu.dma_semaphore, #tpu.memory_space<semaphore_mem>>
      %dma_start3A_228 = arith.constant 0 : i32
      %dma_start3A_229 = arith.constant 0 : i32
      %dma_start3A_230 = tpu.memref_slice %arg4[%arg0, %arg1, %dma_start3A_228, %dma_start3A_229] : memref<2x16x80x125xi32, #tpu.memory_space<hbm>> -> memref<1x1x80x125xi32, #tpu.memory_space<hbm>>
      %dma_start3A_231 = tpu.memref_squeeze %dma_start3A_230 : memref<1x1x80x125xi32, #tpu.memory_space<hbm>> -> memref<80x125xi32, #tpu.memory_space<hbm>>
      %dma_start3A_232 = arith.constant 0 : i32
      %dma_start3A_233 = arith.constant 0 : i32
      %dma_start3A_234 = tpu.memref_slice %arg4[%arg0, %arg1, %dma_start3A_232, %dma_start3A_233] : memref<2x16x80x125xi32, #tpu.memory_space<hbm>> -> memref<1x1x80x125xi32, #tpu.memory_space<hbm>>
      %dma_start3A_235 = tpu.memref_squeeze %dma_start3A_234 : memref<1x1x80x125xi32, #tpu.memory_space<hbm>> -> memref<80x125xi32, #tpu.memory_space<hbm>>
      tpu.enqueue_dma source(%dma_start3A_235 : memref<80x125xi32, #tpu.memory_space<hbm>>) target(%arg8 : memref<80x125xi32, #tpu.memory_space<vmem>>) target_semaphore(%run_scoped3A : memref<!tpu.dma_semaphore, #tpu.memory_space<semaphore_mem>>)
      %dma_wait3A_236 = arith.constant 0 : i32
      %dma_wait3A_237 = arith.constant 0 : i32
      %dma_wait3A_238 = tpu.memref_slice %arg4[%arg0, %arg1, %dma_wait3A_236, %dma_wait3A_237] : memref<2x16x80x125xi32, #tpu.memory_space<hbm>> -> memref<1x1x80x125xi32, #tpu.memory_space<hbm>>
      %dma_wait3A_239 = tpu.memref_squeeze %dma_wait3A_238 : memref<1x1x80x125xi32, #tpu.memory_space<hbm>> -> memref<80x125xi32, #tpu.memory_space<hbm>>
      %dma_wait3A_240 = arith.constant 0 : i32
      %dma_wait3A_241 = arith.constant 0 : i32
      %dma_wait3A_242 = tpu.memref_slice %arg4[%arg0, %arg1, %dma_wait3A_240, %dma_wait3A_241] : memref<2x16x80x125xi32, #tpu.memory_space<hbm>> -> memref<1x1x80x125xi32, #tpu.memory_space<hbm>>
      %dma_wait3A_243 = tpu.memref_squeeze %dma_wait3A_242 : memref<1x1x80x125xi32, #tpu.memory_space<hbm>> -> memref<80x125xi32, #tpu.memory_space<hbm>>
      tpu.wait_dma2 semaphore(%run_scoped3A : memref<!tpu.dma_semaphore, #tpu.memory_space<semaphore_mem>>) src(%dma_wait3A_243 : memref<80x125xi32, #tpu.memory_space<hbm>>) dst(%arg8 : memref<80x125xi32, #tpu.memory_space<vmem>>)
      tpu.yield
    }) : () -> ()
    %dma_start3A = arith.constant 0 : i32
    %dma_start3A_0 = arith.constant 0 : i32
    %dma_start3A_1 = tpu.memref_slice %arg7[%dma_start3A, %dma_start3A_0] : memref<80x125xi32, #tpu.memory_space<vmem>> -> memref<1x125xi32, #tpu.memory_space<vmem>>
    %dma_start3A_2 = tpu.memref_squeeze %dma_start3A_1 : memref<1x125xi32, #tpu.memory_space<vmem>> -> memref<125xi32, #tpu.memory_space<vmem>>
    %dma_start3A_3 = arith.constant 0 : i32
    %dma_start3A_4 = arith.constant 0 : i32
    %dma_start3A_5 = tpu.memref_slice %arg2[%dma_start3A_3, %dma_start3A_4] : memref<10000x128xbf16, #tpu.memory_space<hbm>> -> memref<10000x128xbf16, #tpu.memory_space<hbm>>
    tpu.enqueue_indirect_dma source(%dma_start3A_5 : memref<10000x128xbf16, #tpu.memory_space<hbm>>) target(%arg9 : memref<125x128xbf16, #tpu.memory_space<vmem>>) offsets(%dma_start3A_2 : memref<125xi32, #tpu.memory_space<vmem>>) semaphore(%arg18 : memref<!tpu.dma_semaphore, #tpu.memory_space<semaphore_mem>>)
    %dma_start3A_6 = arith.constant 1 : i32
    %dma_start3A_7 = arith.constant 0 : i32
    %dma_start3A_8 = tpu.memref_slice %arg7[%dma_start3A_6, %dma_start3A_7] : memref<80x125xi32, #tpu.memory_space<vmem>> -> memref<1x125xi32, #tpu.memory_space<vmem>>
    %dma_start3A_9 = tpu.memref_squeeze %dma_start3A_8 : memref<1x125xi32, #tpu.memory_space<vmem>> -> memref<125xi32, #tpu.memory_space<vmem>>
    %dma_start3A_10 = arith.constant 0 : i32
    %dma_start3A_11 = arith.constant 0 : i32
    %dma_start3A_12 = tpu.memref_slice %arg2[%dma_start3A_10, %dma_start3A_11] : memref<10000x128xbf16, #tpu.memory_space<hbm>> -> memref<10000x128xbf16, #tpu.memory_space<hbm>>
    tpu.enqueue_indirect_dma source(%dma_start3A_12 : memref<10000x128xbf16, #tpu.memory_space<hbm>>) target(%arg10 : memref<125x128xbf16, #tpu.memory_space<vmem>>) offsets(%dma_start3A_9 : memref<125xi32, #tpu.memory_space<vmem>>) semaphore(%arg19 : memref<!tpu.dma_semaphore, #tpu.memory_space<semaphore_mem>>)
    %dma_start3A_13 = arith.constant 2 : i32
    %dma_start3A_14 = arith.constant 0 : i32
    %dma_start3A_15 = tpu.memref_slice %arg7[%dma_start3A_13, %dma_start3A_14] : memref<80x125xi32, #tpu.memory_space<vmem>> -> memref<1x125xi32, #tpu.memory_space<vmem>>
    %dma_start3A_16 = tpu.memref_squeeze %dma_start3A_15 : memref<1x125xi32, #tpu.memory_space<vmem>> -> memref<125xi32, #tpu.memory_space<vmem>>
    %dma_start3A_17 = arith.constant 0 : i32
    %dma_start3A_18 = arith.constant 0 : i32
    %dma_start3A_19 = tpu.memref_slice %arg2[%dma_start3A_17, %dma_start3A_18] : memref<10000x128xbf16, #tpu.memory_space<hbm>> -> memref<10000x128xbf16, #tpu.memory_space<hbm>>
    tpu.enqueue_indirect_dma source(%dma_start3A_19 : memref<10000x128xbf16, #tpu.memory_space<hbm>>) target(%arg11 : memref<125x128xbf16, #tpu.memory_space<vmem>>) offsets(%dma_start3A_16 : memref<125xi32, #tpu.memory_space<vmem>>) semaphore(%arg20 : memref<!tpu.dma_semaphore, #tpu.memory_space<semaphore_mem>>)
    %dma_start3A_20 = arith.constant 3 : i32
    %dma_start3A_21 = arith.constant 0 : i32
    %dma_start3A_22 = tpu.memref_slice %arg7[%dma_start3A_20, %dma_start3A_21] : memref<80x125xi32, #tpu.memory_space<vmem>> -> memref<1x125xi32, #tpu.memory_space<vmem>>
    %dma_start3A_23 = tpu.memref_squeeze %dma_start3A_22 : memref<1x125xi32, #tpu.memory_space<vmem>> -> memref<125xi32, #tpu.memory_space<vmem>>
    %dma_start3A_24 = arith.constant 0 : i32
    %dma_start3A_25 = arith.constant 0 : i32
    %dma_start3A_26 = tpu.memref_slice %arg2[%dma_start3A_24, %dma_start3A_25] : memref<10000x128xbf16, #tpu.memory_space<hbm>> -> memref<10000x128xbf16, #tpu.memory_space<hbm>>
    tpu.enqueue_indirect_dma source(%dma_start3A_26 : memref<10000x128xbf16, #tpu.memory_space<hbm>>) target(%arg12 : memref<125x128xbf16, #tpu.memory_space<vmem>>) offsets(%dma_start3A_23 : memref<125xi32, #tpu.memory_space<vmem>>) semaphore(%arg21 : memref<!tpu.dma_semaphore, #tpu.memory_space<semaphore_mem>>)
    %dma_start3A_27 = arith.constant 4 : i32
    %dma_start3A_28 = arith.constant 0 : i32
    %dma_start3A_29 = tpu.memref_slice %arg7[%dma_start3A_27, %dma_start3A_28] : memref<80x125xi32, #tpu.memory_space<vmem>> -> memref<1x125xi32, #tpu.memory_space<vmem>>
    %dma_start3A_30 = tpu.memref_squeeze %dma_start3A_29 : memref<1x125xi32, #tpu.memory_space<vmem>> -> memref<125xi32, #tpu.memory_space<vmem>>
    %dma_start3A_31 = arith.constant 0 : i32
    %dma_start3A_32 = arith.constant 0 : i32
    %dma_start3A_33 = tpu.memref_slice %arg2[%dma_start3A_31, %dma_start3A_32] : memref<10000x128xbf16, #tpu.memory_space<hbm>> -> memref<10000x128xbf16, #tpu.memory_space<hbm>>
    tpu.enqueue_indirect_dma source(%dma_start3A_33 : memref<10000x128xbf16, #tpu.memory_space<hbm>>) target(%arg13 : memref<125x128xbf16, #tpu.memory_space<vmem>>) offsets(%dma_start3A_30 : memref<125xi32, #tpu.memory_space<vmem>>) semaphore(%arg22 : memref<!tpu.dma_semaphore, #tpu.memory_space<semaphore_mem>>)
    %dma_start3A_34 = arith.constant 5 : i32
    %dma_start3A_35 = arith.constant 0 : i32
    %dma_start3A_36 = tpu.memref_slice %arg7[%dma_start3A_34, %dma_start3A_35] : memref<80x125xi32, #tpu.memory_space<vmem>> -> memref<1x125xi32, #tpu.memory_space<vmem>>
    %dma_start3A_37 = tpu.memref_squeeze %dma_start3A_36 : memref<1x125xi32, #tpu.memory_space<vmem>> -> memref<125xi32, #tpu.memory_space<vmem>>
    %dma_start3A_38 = arith.constant 0 : i32
    %dma_start3A_39 = arith.constant 0 : i32
    %dma_start3A_40 = tpu.memref_slice %arg2[%dma_start3A_38, %dma_start3A_39] : memref<10000x128xbf16, #tpu.memory_space<hbm>> -> memref<10000x128xbf16, #tpu.memory_space<hbm>>
    tpu.enqueue_indirect_dma source(%dma_start3A_40 : memref<10000x128xbf16, #tpu.memory_space<hbm>>) target(%arg14 : memref<125x128xbf16, #tpu.memory_space<vmem>>) offsets(%dma_start3A_37 : memref<125xi32, #tpu.memory_space<vmem>>) semaphore(%arg23 : memref<!tpu.dma_semaphore, #tpu.memory_space<semaphore_mem>>)
    %dma_start3A_41 = arith.constant 6 : i32
    %dma_start3A_42 = arith.constant 0 : i32
    %dma_start3A_43 = tpu.memref_slice %arg7[%dma_start3A_41, %dma_start3A_42] : memref<80x125xi32, #tpu.memory_space<vmem>> -> memref<1x125xi32, #tpu.memory_space<vmem>>
    %dma_start3A_44 = tpu.memref_squeeze %dma_start3A_43 : memref<1x125xi32, #tpu.memory_space<vmem>> -> memref<125xi32, #tpu.memory_space<vmem>>
    %dma_start3A_45 = arith.constant 0 : i32
    %dma_start3A_46 = arith.constant 0 : i32
    %dma_start3A_47 = tpu.memref_slice %arg2[%dma_start3A_45, %dma_start3A_46] : memref<10000x128xbf16, #tpu.memory_space<hbm>> -> memref<10000x128xbf16, #tpu.memory_space<hbm>>
    tpu.enqueue_indirect_dma source(%dma_start3A_47 : memref<10000x128xbf16, #tpu.memory_space<hbm>>) target(%arg15 : memref<125x128xbf16, #tpu.memory_space<vmem>>) offsets(%dma_start3A_44 : memref<125xi32, #tpu.memory_space<vmem>>) semaphore(%arg24 : memref<!tpu.dma_semaphore, #tpu.memory_space<semaphore_mem>>)
    %dma_start3A_48 = arith.constant 7 : i32
    %dma_start3A_49 = arith.constant 0 : i32
    %dma_start3A_50 = tpu.memref_slice %arg7[%dma_start3A_48, %dma_start3A_49] : memref<80x125xi32, #tpu.memory_space<vmem>> -> memref<1x125xi32, #tpu.memory_space<vmem>>
    %dma_start3A_51 = tpu.memref_squeeze %dma_start3A_50 : memref<1x125xi32, #tpu.memory_space<vmem>> -> memref<125xi32, #tpu.memory_space<vmem>>
    %dma_start3A_52 = arith.constant 0 : i32
    %dma_start3A_53 = arith.constant 0 : i32
    %dma_start3A_54 = tpu.memref_slice %arg2[%dma_start3A_52, %dma_start3A_53] : memref<10000x128xbf16, #tpu.memory_space<hbm>> -> memref<10000x128xbf16, #tpu.memory_space<hbm>>
    tpu.enqueue_indirect_dma source(%dma_start3A_54 : memref<10000x128xbf16, #tpu.memory_space<hbm>>) target(%arg16 : memref<125x128xbf16, #tpu.memory_space<vmem>>) offsets(%dma_start3A_51 : memref<125xi32, #tpu.memory_space<vmem>>) semaphore(%arg25 : memref<!tpu.dma_semaphore, #tpu.memory_space<semaphore_mem>>)
    %mul3A = arith.constant 640 : i32
    %mul3A_55 = arith.muli %arg1, %mul3A : i32
    "tpu.region"() ({
      %run_scoped3A = tpu.sem_alloc : memref<!tpu.dma_semaphore, #tpu.memory_space<semaphore_mem>>
      %dma_start3A_228 = arith.constant 0 : i32
      %dma_start3A_229 = tpu.memref_slice %arg17[%mul3A_55, %dma_start3A_228] : memref<10240x128xbf16, #tpu.memory_space<vmem_shared>> -> memref<640x128xbf16, #tpu.memory_space<vmem_shared>>
      tpu.enqueue_dma source(%arg5 : memref<640x128xbf16, #tpu.memory_space<hbm>>) target(%dma_start3A_229 : memref<640x128xbf16, #tpu.memory_space<vmem_shared>>) target_semaphore(%run_scoped3A : memref<!tpu.dma_semaphore, #tpu.memory_space<semaphore_mem>>)
      %dma_wait3A_230 = arith.constant 0 : i32
      %dma_wait3A_231 = tpu.memref_slice %arg17[%mul3A_55, %dma_wait3A_230] : memref<10240x128xbf16, #tpu.memory_space<vmem_shared>> -> memref<640x128xbf16, #tpu.memory_space<vmem_shared>>
      tpu.wait_dma2 semaphore(%run_scoped3A : memref<!tpu.dma_semaphore, #tpu.memory_space<semaphore_mem>>) src(%arg5 : memref<640x128xbf16, #tpu.memory_space<hbm>>) dst(%dma_wait3A_231 : memref<640x128xbf16, #tpu.memory_space<vmem_shared>>)
      tpu.yield
    }) : () -> ()
    %barrier3A = arith.constant 0 : index
    tpu.barrier barrier_id(%barrier3A)
    %scan3A = arith.constant 0 : i32
    %scan3A_56 = arith.constant 9 : i32
    %scan3A_57 = arith.addi %scan3A, %scan3A_56 : i32
    %scan3A_58 = arith.constant 1 : i32
    scf.for %scan3A_228 = %scan3A to %scan3A_57 step %scan3A_58  : i32 {
      %mul3A_229 = arith.constant 8 : i32
      %mul3A_230 = arith.muli %scan3A_228, %mul3A_229 : i32
      %add3A = arith.constant 0 : i32
      %add3A_231 = arith.addi %add3A, %mul3A_230 : i32
      %add3A_232 = arith.constant 0 : i32
      %add3A_233 = arith.addi %add3A_231, %add3A_232 : i32
      %dma_wait3A_234 = arith.constant 0 : i32
      %dma_wait3A_235 = tpu.memref_slice %arg7[%add3A_233, %dma_wait3A_234] : memref<80x125xi32, #tpu.memory_space<vmem>> -> memref<1x125xi32, #tpu.memory_space<vmem>>
      %dma_wait3A_236 = tpu.memref_squeeze %dma_wait3A_235 : memref<1x125xi32, #tpu.memory_space<vmem>> -> memref<125xi32, #tpu.memory_space<vmem>>
      %dma_wait3A_237 = arith.constant 0 : i32
      %dma_wait3A_238 = arith.constant 0 : i32
      %dma_wait3A_239 = tpu.memref_slice %arg2[%dma_wait3A_237, %dma_wait3A_238] : memref<10000x128xbf16, #tpu.memory_space<hbm>> -> memref<10000x128xbf16, #tpu.memory_space<hbm>>
      tpu.wait_indirect_dma semaphore(%arg18 : memref<!tpu.dma_semaphore, #tpu.memory_space<semaphore_mem>>) src(%dma_wait3A_239 : memref<10000x128xbf16, #tpu.memory_space<hbm>>) dst(%arg9 : memref<125x128xbf16, #tpu.memory_space<vmem>>)
      %add3A_240 = arith.constant 0 : i32
      %add3A_241 = arith.addi %add3A_231, %add3A_240 : i32
      %dma_start3A_242 = arith.constant 0 : i32
      %dma_start3A_243 = tpu.memref_slice %arg8[%add3A_241, %dma_start3A_242] : memref<80x125xi32, #tpu.memory_space<vmem>> -> memref<1x125xi32, #tpu.memory_space<vmem>>
      %dma_start3A_244 = tpu.memref_squeeze %dma_start3A_243 : memref<1x125xi32, #tpu.memory_space<vmem>> -> memref<125xi32, #tpu.memory_space<vmem>>
      %dma_start3A_245 = arith.constant 0 : i32
      %dma_start3A_246 = arith.constant 0 : i32
      %dma_start3A_247 = tpu.memref_slice %arg17[%dma_start3A_245, %dma_start3A_246] : memref<10240x128xbf16, #tpu.memory_space<vmem_shared>> -> memref<10240x128xbf16, #tpu.memory_space<vmem_shared>>
      tpu.enqueue_indirect_dma source(%arg9 : memref<125x128xbf16, #tpu.memory_space<vmem>>) target(%dma_start3A_247 : memref<10240x128xbf16, #tpu.memory_space<vmem_shared>>) offsets(%dma_start3A_244 : memref<125xi32, #tpu.memory_space<vmem>>) semaphore(%arg26 : memref<!tpu.dma_semaphore, #tpu.memory_space<semaphore_mem>>) {add = true}
      %add3A_248 = arith.constant 1 : i32
      %add3A_249 = arith.addi %add3A_231, %add3A_248 : i32
      %dma_wait3A_250 = arith.constant 0 : i32
      %dma_wait3A_251 = tpu.memref_slice %arg7[%add3A_249, %dma_wait3A_250] : memref<80x125xi32, #tpu.memory_space<vmem>> -> memref<1x125xi32, #tpu.memory_space<vmem>>
      %dma_wait3A_252 = tpu.memref_squeeze %dma_wait3A_251 : memref<1x125xi32, #tpu.memory_space<vmem>> -> memref<125xi32, #tpu.memory_space<vmem>>
      %dma_wait3A_253 = arith.constant 0 : i32
      %dma_wait3A_254 = arith.constant 0 : i32
      %dma_wait3A_255 = tpu.memref_slice %arg2[%dma_wait3A_253, %dma_wait3A_254] : memref<10000x128xbf16, #tpu.memory_space<hbm>> -> memref<10000x128xbf16, #tpu.memory_space<hbm>>
      tpu.wait_indirect_dma semaphore(%arg19 : memref<!tpu.dma_semaphore, #tpu.memory_space<semaphore_mem>>) src(%dma_wait3A_255 : memref<10000x128xbf16, #tpu.memory_space<hbm>>) dst(%arg10 : memref<125x128xbf16, #tpu.memory_space<vmem>>)
      %add3A_256 = arith.constant 1 : i32
      %add3A_257 = arith.addi %add3A_231, %add3A_256 : i32
      %dma_start3A_258 = arith.constant 0 : i32
      %dma_start3A_259 = tpu.memref_slice %arg8[%add3A_257, %dma_start3A_258] : memref<80x125xi32, #tpu.memory_space<vmem>> -> memref<1x125xi32, #tpu.memory_space<vmem>>
      %dma_start3A_260 = tpu.memref_squeeze %dma_start3A_259 : memref<1x125xi32, #tpu.memory_space<vmem>> -> memref<125xi32, #tpu.memory_space<vmem>>
      %dma_start3A_261 = arith.constant 0 : i32
      %dma_start3A_262 = arith.constant 0 : i32
      %dma_start3A_263 = tpu.memref_slice %arg17[%dma_start3A_261, %dma_start3A_262] : memref<10240x128xbf16, #tpu.memory_space<vmem_shared>> -> memref<10240x128xbf16, #tpu.memory_space<vmem_shared>>
      tpu.enqueue_indirect_dma source(%arg10 : memref<125x128xbf16, #tpu.memory_space<vmem>>) target(%dma_start3A_263 : memref<10240x128xbf16, #tpu.memory_space<vmem_shared>>) offsets(%dma_start3A_260 : memref<125xi32, #tpu.memory_space<vmem>>) semaphore(%arg27 : memref<!tpu.dma_semaphore, #tpu.memory_space<semaphore_mem>>) {add = true}
      %add3A_264 = arith.constant 2 : i32
      %add3A_265 = arith.addi %add3A_231, %add3A_264 : i32
      %dma_wait3A_266 = arith.constant 0 : i32
      %dma_wait3A_267 = tpu.memref_slice %arg7[%add3A_265, %dma_wait3A_266] : memref<80x125xi32, #tpu.memory_space<vmem>> -> memref<1x125xi32, #tpu.memory_space<vmem>>
      %dma_wait3A_268 = tpu.memref_squeeze %dma_wait3A_267 : memref<1x125xi32, #tpu.memory_space<vmem>> -> memref<125xi32, #tpu.memory_space<vmem>>
      %dma_wait3A_269 = arith.constant 0 : i32
      %dma_wait3A_270 = arith.constant 0 : i32
      %dma_wait3A_271 = tpu.memref_slice %arg2[%dma_wait3A_269, %dma_wait3A_270] : memref<10000x128xbf16, #tpu.memory_space<hbm>> -> memref<10000x128xbf16, #tpu.memory_space<hbm>>
      tpu.wait_indirect_dma semaphore(%arg20 : memref<!tpu.dma_semaphore, #tpu.memory_space<semaphore_mem>>) src(%dma_wait3A_271 : memref<10000x128xbf16, #tpu.memory_space<hbm>>) dst(%arg11 : memref<125x128xbf16, #tpu.memory_space<vmem>>)
      %add3A_272 = arith.constant 2 : i32
      %add3A_273 = arith.addi %add3A_231, %add3A_272 : i32
      %dma_start3A_274 = arith.constant 0 : i32
      %dma_start3A_275 = tpu.memref_slice %arg8[%add3A_273, %dma_start3A_274] : memref<80x125xi32, #tpu.memory_space<vmem>> -> memref<1x125xi32, #tpu.memory_space<vmem>>
      %dma_start3A_276 = tpu.memref_squeeze %dma_start3A_275 : memref<1x125xi32, #tpu.memory_space<vmem>> -> memref<125xi32, #tpu.memory_space<vmem>>
      %dma_start3A_277 = arith.constant 0 : i32
      %dma_start3A_278 = arith.constant 0 : i32
      %dma_start3A_279 = tpu.memref_slice %arg17[%dma_start3A_277, %dma_start3A_278] : memref<10240x128xbf16, #tpu.memory_space<vmem_shared>> -> memref<10240x128xbf16, #tpu.memory_space<vmem_shared>>
      tpu.enqueue_indirect_dma source(%arg11 : memref<125x128xbf16, #tpu.memory_space<vmem>>) target(%dma_start3A_279 : memref<10240x128xbf16, #tpu.memory_space<vmem_shared>>) offsets(%dma_start3A_276 : memref<125xi32, #tpu.memory_space<vmem>>) semaphore(%arg28 : memref<!tpu.dma_semaphore, #tpu.memory_space<semaphore_mem>>) {add = true}
      %add3A_280 = arith.constant 3 : i32
      %add3A_281 = arith.addi %add3A_231, %add3A_280 : i32
      %dma_wait3A_282 = arith.constant 0 : i32
      %dma_wait3A_283 = tpu.memref_slice %arg7[%add3A_281, %dma_wait3A_282] : memref<80x125xi32, #tpu.memory_space<vmem>> -> memref<1x125xi32, #tpu.memory_space<vmem>>
      %dma_wait3A_284 = tpu.memref_squeeze %dma_wait3A_283 : memref<1x125xi32, #tpu.memory_space<vmem>> -> memref<125xi32, #tpu.memory_space<vmem>>
      %dma_wait3A_285 = arith.constant 0 : i32
      %dma_wait3A_286 = arith.constant 0 : i32
      %dma_wait3A_287 = tpu.memref_slice %arg2[%dma_wait3A_285, %dma_wait3A_286] : memref<10000x128xbf16, #tpu.memory_space<hbm>> -> memref<10000x128xbf16, #tpu.memory_space<hbm>>
      tpu.wait_indirect_dma semaphore(%arg21 : memref<!tpu.dma_semaphore, #tpu.memory_space<semaphore_mem>>) src(%dma_wait3A_287 : memref<10000x128xbf16, #tpu.memory_space<hbm>>) dst(%arg12 : memref<125x128xbf16, #tpu.memory_space<vmem>>)
      %add3A_288 = arith.constant 3 : i32
      %add3A_289 = arith.addi %add3A_231, %add3A_288 : i32
      %dma_start3A_290 = arith.constant 0 : i32
      %dma_start3A_291 = tpu.memref_slice %arg8[%add3A_289, %dma_start3A_290] : memref<80x125xi32, #tpu.memory_space<vmem>> -> memref<1x125xi32, #tpu.memory_space<vmem>>
      %dma_start3A_292 = tpu.memref_squeeze %dma_start3A_291 : memref<1x125xi32, #tpu.memory_space<vmem>> -> memref<125xi32, #tpu.memory_space<vmem>>
      %dma_start3A_293 = arith.constant 0 : i32
      %dma_start3A_294 = arith.constant 0 : i32
      %dma_start3A_295 = tpu.memref_slice %arg17[%dma_start3A_293, %dma_start3A_294] : memref<10240x128xbf16, #tpu.memory_space<vmem_shared>> -> memref<10240x128xbf16, #tpu.memory_space<vmem_shared>>
      tpu.enqueue_indirect_dma source(%arg12 : memref<125x128xbf16, #tpu.memory_space<vmem>>) target(%dma_start3A_295 : memref<10240x128xbf16, #tpu.memory_space<vmem_shared>>) offsets(%dma_start3A_292 : memref<125xi32, #tpu.memory_space<vmem>>) semaphore(%arg29 : memref<!tpu.dma_semaphore, #tpu.memory_space<semaphore_mem>>) {add = true}
      %add3A_296 = arith.constant 4 : i32
      %add3A_297 = arith.addi %add3A_231, %add3A_296 : i32
      %dma_wait3A_298 = arith.constant 0 : i32
      %dma_wait3A_299 = tpu.memref_slice %arg7[%add3A_297, %dma_wait3A_298] : memref<80x125xi32, #tpu.memory_space<vmem>> -> memref<1x125xi32, #tpu.memory_space<vmem>>
      %dma_wait3A_300 = tpu.memref_squeeze %dma_wait3A_299 : memref<1x125xi32, #tpu.memory_space<vmem>> -> memref<125xi32, #tpu.memory_space<vmem>>
      %dma_wait3A_301 = arith.constant 0 : i32
      %dma_wait3A_302 = arith.constant 0 : i32
      %dma_wait3A_303 = tpu.memref_slice %arg2[%dma_wait3A_301, %dma_wait3A_302] : memref<10000x128xbf16, #tpu.memory_space<hbm>> -> memref<10000x128xbf16, #tpu.memory_space<hbm>>
      tpu.wait_indirect_dma semaphore(%arg22 : memref<!tpu.dma_semaphore, #tpu.memory_space<semaphore_mem>>) src(%dma_wait3A_303 : memref<10000x128xbf16, #tpu.memory_space<hbm>>) dst(%arg13 : memref<125x128xbf16, #tpu.memory_space<vmem>>)
      %add3A_304 = arith.constant 4 : i32
      %add3A_305 = arith.addi %add3A_231, %add3A_304 : i32
      %dma_start3A_306 = arith.constant 0 : i32
      %dma_start3A_307 = tpu.memref_slice %arg8[%add3A_305, %dma_start3A_306] : memref<80x125xi32, #tpu.memory_space<vmem>> -> memref<1x125xi32, #tpu.memory_space<vmem>>
      %dma_start3A_308 = tpu.memref_squeeze %dma_start3A_307 : memref<1x125xi32, #tpu.memory_space<vmem>> -> memref<125xi32, #tpu.memory_space<vmem>>
      %dma_start3A_309 = arith.constant 0 : i32
      %dma_start3A_310 = arith.constant 0 : i32
      %dma_start3A_311 = tpu.memref_slice %arg17[%dma_start3A_309, %dma_start3A_310] : memref<10240x128xbf16, #tpu.memory_space<vmem_shared>> -> memref<10240x128xbf16, #tpu.memory_space<vmem_shared>>
      tpu.enqueue_indirect_dma source(%arg13 : memref<125x128xbf16, #tpu.memory_space<vmem>>) target(%dma_start3A_311 : memref<10240x128xbf16, #tpu.memory_space<vmem_shared>>) offsets(%dma_start3A_308 : memref<125xi32, #tpu.memory_space<vmem>>) semaphore(%arg30 : memref<!tpu.dma_semaphore, #tpu.memory_space<semaphore_mem>>) {add = true}
      %add3A_312 = arith.constant 5 : i32
      %add3A_313 = arith.addi %add3A_231, %add3A_312 : i32
      %dma_wait3A_314 = arith.constant 0 : i32
      %dma_wait3A_315 = tpu.memref_slice %arg7[%add3A_313, %dma_wait3A_314] : memref<80x125xi32, #tpu.memory_space<vmem>> -> memref<1x125xi32, #tpu.memory_space<vmem>>
      %dma_wait3A_316 = tpu.memref_squeeze %dma_wait3A_315 : memref<1x125xi32, #tpu.memory_space<vmem>> -> memref<125xi32, #tpu.memory_space<vmem>>
      %dma_wait3A_317 = arith.constant 0 : i32
      %dma_wait3A_318 = arith.constant 0 : i32
      %dma_wait3A_319 = tpu.memref_slice %arg2[%dma_wait3A_317, %dma_wait3A_318] : memref<10000x128xbf16, #tpu.memory_space<hbm>> -> memref<10000x128xbf16, #tpu.memory_space<hbm>>
      tpu.wait_indirect_dma semaphore(%arg23 : memref<!tpu.dma_semaphore, #tpu.memory_space<semaphore_mem>>) src(%dma_wait3A_319 : memref<10000x128xbf16, #tpu.memory_space<hbm>>) dst(%arg14 : memref<125x128xbf16, #tpu.memory_space<vmem>>)
      %add3A_320 = arith.constant 5 : i32
      %add3A_321 = arith.addi %add3A_231, %add3A_320 : i32
      %dma_start3A_322 = arith.constant 0 : i32
      %dma_start3A_323 = tpu.memref_slice %arg8[%add3A_321, %dma_start3A_322] : memref<80x125xi32, #tpu.memory_space<vmem>> -> memref<1x125xi32, #tpu.memory_space<vmem>>
      %dma_start3A_324 = tpu.memref_squeeze %dma_start3A_323 : memref<1x125xi32, #tpu.memory_space<vmem>> -> memref<125xi32, #tpu.memory_space<vmem>>
      %dma_start3A_325 = arith.constant 0 : i32
      %dma_start3A_326 = arith.constant 0 : i32
      %dma_start3A_327 = tpu.memref_slice %arg17[%dma_start3A_325, %dma_start3A_326] : memref<10240x128xbf16, #tpu.memory_space<vmem_shared>> -> memref<10240x128xbf16, #tpu.memory_space<vmem_shared>>
      tpu.enqueue_indirect_dma source(%arg14 : memref<125x128xbf16, #tpu.memory_space<vmem>>) target(%dma_start3A_327 : memref<10240x128xbf16, #tpu.memory_space<vmem_shared>>) offsets(%dma_start3A_324 : memref<125xi32, #tpu.memory_space<vmem>>) semaphore(%arg31 : memref<!tpu.dma_semaphore, #tpu.memory_space<semaphore_mem>>) {add = true}
      %add3A_328 = arith.constant 6 : i32
      %add3A_329 = arith.addi %add3A_231, %add3A_328 : i32
      %dma_wait3A_330 = arith.constant 0 : i32
      %dma_wait3A_331 = tpu.memref_slice %arg7[%add3A_329, %dma_wait3A_330] : memref<80x125xi32, #tpu.memory_space<vmem>> -> memref<1x125xi32, #tpu.memory_space<vmem>>
      %dma_wait3A_332 = tpu.memref_squeeze %dma_wait3A_331 : memref<1x125xi32, #tpu.memory_space<vmem>> -> memref<125xi32, #tpu.memory_space<vmem>>
      %dma_wait3A_333 = arith.constant 0 : i32
      %dma_wait3A_334 = arith.constant 0 : i32
      %dma_wait3A_335 = tpu.memref_slice %arg2[%dma_wait3A_333, %dma_wait3A_334] : memref<10000x128xbf16, #tpu.memory_space<hbm>> -> memref<10000x128xbf16, #tpu.memory_space<hbm>>
      tpu.wait_indirect_dma semaphore(%arg24 : memref<!tpu.dma_semaphore, #tpu.memory_space<semaphore_mem>>) src(%dma_wait3A_335 : memref<10000x128xbf16, #tpu.memory_space<hbm>>) dst(%arg15 : memref<125x128xbf16, #tpu.memory_space<vmem>>)
      %add3A_336 = arith.constant 6 : i32
      %add3A_337 = arith.addi %add3A_231, %add3A_336 : i32
      %dma_start3A_338 = arith.constant 0 : i32
      %dma_start3A_339 = tpu.memref_slice %arg8[%add3A_337, %dma_start3A_338] : memref<80x125xi32, #tpu.memory_space<vmem>> -> memref<1x125xi32, #tpu.memory_space<vmem>>
      %dma_start3A_340 = tpu.memref_squeeze %dma_start3A_339 : memref<1x125xi32, #tpu.memory_space<vmem>> -> memref<125xi32, #tpu.memory_space<vmem>>
      %dma_start3A_341 = arith.constant 0 : i32
      %dma_start3A_342 = arith.constant 0 : i32
      %dma_start3A_343 = tpu.memref_slice %arg17[%dma_start3A_341, %dma_start3A_342] : memref<10240x128xbf16, #tpu.memory_space<vmem_shared>> -> memref<10240x128xbf16, #tpu.memory_space<vmem_shared>>
      tpu.enqueue_indirect_dma source(%arg15 : memref<125x128xbf16, #tpu.memory_space<vmem>>) target(%dma_start3A_343 : memref<10240x128xbf16, #tpu.memory_space<vmem_shared>>) offsets(%dma_start3A_340 : memref<125xi32, #tpu.memory_space<vmem>>) semaphore(%arg32 : memref<!tpu.dma_semaphore, #tpu.memory_space<semaphore_mem>>) {add = true}
      %add3A_344 = arith.constant 7 : i32
      %add3A_345 = arith.addi %add3A_231, %add3A_344 : i32
      %dma_wait3A_346 = arith.constant 0 : i32
      %dma_wait3A_347 = tpu.memref_slice %arg7[%add3A_345, %dma_wait3A_346] : memref<80x125xi32, #tpu.memory_space<vmem>> -> memref<1x125xi32, #tpu.memory_space<vmem>>
      %dma_wait3A_348 = tpu.memref_squeeze %dma_wait3A_347 : memref<1x125xi32, #tpu.memory_space<vmem>> -> memref<125xi32, #tpu.memory_space<vmem>>
      %dma_wait3A_349 = arith.constant 0 : i32
      %dma_wait3A_350 = arith.constant 0 : i32
      %dma_wait3A_351 = tpu.memref_slice %arg2[%dma_wait3A_349, %dma_wait3A_350] : memref<10000x128xbf16, #tpu.memory_space<hbm>> -> memref<10000x128xbf16, #tpu.memory_space<hbm>>
      tpu.wait_indirect_dma semaphore(%arg25 : memref<!tpu.dma_semaphore, #tpu.memory_space<semaphore_mem>>) src(%dma_wait3A_351 : memref<10000x128xbf16, #tpu.memory_space<hbm>>) dst(%arg16 : memref<125x128xbf16, #tpu.memory_space<vmem>>)
      %add3A_352 = arith.constant 7 : i32
      %add3A_353 = arith.addi %add3A_231, %add3A_352 : i32
      %dma_start3A_354 = arith.constant 0 : i32
      %dma_start3A_355 = tpu.memref_slice %arg8[%add3A_353, %dma_start3A_354] : memref<80x125xi32, #tpu.memory_space<vmem>> -> memref<1x125xi32, #tpu.memory_space<vmem>>
      %dma_start3A_356 = tpu.memref_squeeze %dma_start3A_355 : memref<1x125xi32, #tpu.memory_space<vmem>> -> memref<125xi32, #tpu.memory_space<vmem>>
      %dma_start3A_357 = arith.constant 0 : i32
      %dma_start3A_358 = arith.constant 0 : i32
      %dma_start3A_359 = tpu.memref_slice %arg17[%dma_start3A_357, %dma_start3A_358] : memref<10240x128xbf16, #tpu.memory_space<vmem_shared>> -> memref<10240x128xbf16, #tpu.memory_space<vmem_shared>>
      tpu.enqueue_indirect_dma source(%arg16 : memref<125x128xbf16, #tpu.memory_space<vmem>>) target(%dma_start3A_359 : memref<10240x128xbf16, #tpu.memory_space<vmem_shared>>) offsets(%dma_start3A_356 : memref<125xi32, #tpu.memory_space<vmem>>) semaphore(%arg33 : memref<!tpu.dma_semaphore, #tpu.memory_space<semaphore_mem>>) {add = true}
      %add3A_360 = arith.constant 0 : i32
      %add3A_361 = arith.addi %add3A_231, %add3A_360 : i32
      %dma_wait3A_362 = arith.constant 0 : i32
      %dma_wait3A_363 = tpu.memref_slice %arg7[%add3A_361, %dma_wait3A_362] : memref<80x125xi32, #tpu.memory_space<vmem>> -> memref<1x125xi32, #tpu.memory_space<vmem>>
      %dma_wait3A_364 = tpu.memref_squeeze %dma_wait3A_363 : memref<1x125xi32, #tpu.memory_space<vmem>> -> memref<125xi32, #tpu.memory_space<vmem>>
      %dma_wait3A_365 = arith.constant 0 : i32
      %dma_wait3A_366 = arith.constant 0 : i32
      %dma_wait3A_367 = tpu.memref_slice %arg2[%dma_wait3A_365, %dma_wait3A_366] : memref<10000x128xbf16, #tpu.memory_space<hbm>> -> memref<10000x128xbf16, #tpu.memory_space<hbm>>
      tpu.wait_indirect_dma semaphore(%arg26 : memref<!tpu.dma_semaphore, #tpu.memory_space<semaphore_mem>>) src(%dma_wait3A_367 : memref<10000x128xbf16, #tpu.memory_space<hbm>>) dst(%arg9 : memref<125x128xbf16, #tpu.memory_space<vmem>>)
      %add3A_368 = arith.constant 8 : i32
      %add3A_369 = arith.addi %add3A_231, %add3A_368 : i32
      %add3A_370 = arith.constant 0 : i32
      %add3A_371 = arith.addi %add3A_369, %add3A_370 : i32
      %dma_start3A_372 = arith.constant 0 : i32
      %dma_start3A_373 = tpu.memref_slice %arg7[%add3A_371, %dma_start3A_372] : memref<80x125xi32, #tpu.memory_space<vmem>> -> memref<1x125xi32, #tpu.memory_space<vmem>>
      %dma_start3A_374 = tpu.memref_squeeze %dma_start3A_373 : memref<1x125xi32, #tpu.memory_space<vmem>> -> memref<125xi32, #tpu.memory_space<vmem>>
      %dma_start3A_375 = arith.constant 0 : i32
      %dma_start3A_376 = arith.constant 0 : i32
      %dma_start3A_377 = tpu.memref_slice %arg2[%dma_start3A_375, %dma_start3A_376] : memref<10000x128xbf16, #tpu.memory_space<hbm>> -> memref<10000x128xbf16, #tpu.memory_space<hbm>>
      tpu.enqueue_indirect_dma source(%dma_start3A_377 : memref<10000x128xbf16, #tpu.memory_space<hbm>>) target(%arg9 : memref<125x128xbf16, #tpu.memory_space<vmem>>) offsets(%dma_start3A_374 : memref<125xi32, #tpu.memory_space<vmem>>) semaphore(%arg18 : memref<!tpu.dma_semaphore, #tpu.memory_space<semaphore_mem>>)
      %add3A_378 = arith.constant 1 : i32
      %add3A_379 = arith.addi %add3A_231, %add3A_378 : i32
      %dma_wait3A_380 = arith.constant 0 : i32
      %dma_wait3A_381 = tpu.memref_slice %arg7[%add3A_379, %dma_wait3A_380] : memref<80x125xi32, #tpu.memory_space<vmem>> -> memref<1x125xi32, #tpu.memory_space<vmem>>
      %dma_wait3A_382 = tpu.memref_squeeze %dma_wait3A_381 : memref<1x125xi32, #tpu.memory_space<vmem>> -> memref<125xi32, #tpu.memory_space<vmem>>
      %dma_wait3A_383 = arith.constant 0 : i32
      %dma_wait3A_384 = arith.constant 0 : i32
      %dma_wait3A_385 = tpu.memref_slice %arg2[%dma_wait3A_383, %dma_wait3A_384] : memref<10000x128xbf16, #tpu.memory_space<hbm>> -> memref<10000x128xbf16, #tpu.memory_space<hbm>>
      tpu.wait_indirect_dma semaphore(%arg27 : memref<!tpu.dma_semaphore, #tpu.memory_space<semaphore_mem>>) src(%dma_wait3A_385 : memref<10000x128xbf16, #tpu.memory_space<hbm>>) dst(%arg10 : memref<125x128xbf16, #tpu.memory_space<vmem>>)
      %add3A_386 = arith.constant 8 : i32
      %add3A_387 = arith.addi %add3A_231, %add3A_386 : i32
      %add3A_388 = arith.constant 1 : i32
      %add3A_389 = arith.addi %add3A_387, %add3A_388 : i32
      %dma_start3A_390 = arith.constant 0 : i32
      %dma_start3A_391 = tpu.memref_slice %arg7[%add3A_389, %dma_start3A_390] : memref<80x125xi32, #tpu.memory_space<vmem>> -> memref<1x125xi32, #tpu.memory_space<vmem>>
      %dma_start3A_392 = tpu.memref_squeeze %dma_start3A_391 : memref<1x125xi32, #tpu.memory_space<vmem>> -> memref<125xi32, #tpu.memory_space<vmem>>
      %dma_start3A_393 = arith.constant 0 : i32
      %dma_start3A_394 = arith.constant 0 : i32
      %dma_start3A_395 = tpu.memref_slice %arg2[%dma_start3A_393, %dma_start3A_394] : memref<10000x128xbf16, #tpu.memory_space<hbm>> -> memref<10000x128xbf16, #tpu.memory_space<hbm>>
      tpu.enqueue_indirect_dma source(%dma_start3A_395 : memref<10000x128xbf16, #tpu.memory_space<hbm>>) target(%arg10 : memref<125x128xbf16, #tpu.memory_space<vmem>>) offsets(%dma_start3A_392 : memref<125xi32, #tpu.memory_space<vmem>>) semaphore(%arg19 : memref<!tpu.dma_semaphore, #tpu.memory_space<semaphore_mem>>)
      %add3A_396 = arith.constant 2 : i32
      %add3A_397 = arith.addi %add3A_231, %add3A_396 : i32
      %dma_wait3A_398 = arith.constant 0 : i32
      %dma_wait3A_399 = tpu.memref_slice %arg7[%add3A_397, %dma_wait3A_398] : memref<80x125xi32, #tpu.memory_space<vmem>> -> memref<1x125xi32, #tpu.memory_space<vmem>>
      %dma_wait3A_400 = tpu.memref_squeeze %dma_wait3A_399 : memref<1x125xi32, #tpu.memory_space<vmem>> -> memref<125xi32, #tpu.memory_space<vmem>>
      %dma_wait3A_401 = arith.constant 0 : i32
      %dma_wait3A_402 = arith.constant 0 : i32
      %dma_wait3A_403 = tpu.memref_slice %arg2[%dma_wait3A_401, %dma_wait3A_402] : memref<10000x128xbf16, #tpu.memory_space<hbm>> -> memref<10000x128xbf16, #tpu.memory_space<hbm>>
      tpu.wait_indirect_dma semaphore(%arg28 : memref<!tpu.dma_semaphore, #tpu.memory_space<semaphore_mem>>) src(%dma_wait3A_403 : memref<10000x128xbf16, #tpu.memory_space<hbm>>) dst(%arg11 : memref<125x128xbf16, #tpu.memory_space<vmem>>)
      %add3A_404 = arith.constant 8 : i32
      %add3A_405 = arith.addi %add3A_231, %add3A_404 : i32
      %add3A_406 = arith.constant 2 : i32
      %add3A_407 = arith.addi %add3A_405, %add3A_406 : i32
      %dma_start3A_408 = arith.constant 0 : i32
      %dma_start3A_409 = tpu.memref_slice %arg7[%add3A_407, %dma_start3A_408] : memref<80x125xi32, #tpu.memory_space<vmem>> -> memref<1x125xi32, #tpu.memory_space<vmem>>
      %dma_start3A_410 = tpu.memref_squeeze %dma_start3A_409 : memref<1x125xi32, #tpu.memory_space<vmem>> -> memref<125xi32, #tpu.memory_space<vmem>>
      %dma_start3A_411 = arith.constant 0 : i32
      %dma_start3A_412 = arith.constant 0 : i32
      %dma_start3A_413 = tpu.memref_slice %arg2[%dma_start3A_411, %dma_start3A_412] : memref<10000x128xbf16, #tpu.memory_space<hbm>> -> memref<10000x128xbf16, #tpu.memory_space<hbm>>
      tpu.enqueue_indirect_dma source(%dma_start3A_413 : memref<10000x128xbf16, #tpu.memory_space<hbm>>) target(%arg11 : memref<125x128xbf16, #tpu.memory_space<vmem>>) offsets(%dma_start3A_410 : memref<125xi32, #tpu.memory_space<vmem>>) semaphore(%arg20 : memref<!tpu.dma_semaphore, #tpu.memory_space<semaphore_mem>>)
      %add3A_414 = arith.constant 3 : i32
      %add3A_415 = arith.addi %add3A_231, %add3A_414 : i32
      %dma_wait3A_416 = arith.constant 0 : i32
      %dma_wait3A_417 = tpu.memref_slice %arg7[%add3A_415, %dma_wait3A_416] : memref<80x125xi32, #tpu.memory_space<vmem>> -> memref<1x125xi32, #tpu.memory_space<vmem>>
      %dma_wait3A_418 = tpu.memref_squeeze %dma_wait3A_417 : memref<1x125xi32, #tpu.memory_space<vmem>> -> memref<125xi32, #tpu.memory_space<vmem>>
      %dma_wait3A_419 = arith.constant 0 : i32
      %dma_wait3A_420 = arith.constant 0 : i32
      %dma_wait3A_421 = tpu.memref_slice %arg2[%dma_wait3A_419, %dma_wait3A_420] : memref<10000x128xbf16, #tpu.memory_space<hbm>> -> memref<10000x128xbf16, #tpu.memory_space<hbm>>
      tpu.wait_indirect_dma semaphore(%arg29 : memref<!tpu.dma_semaphore, #tpu.memory_space<semaphore_mem>>) src(%dma_wait3A_421 : memref<10000x128xbf16, #tpu.memory_space<hbm>>) dst(%arg12 : memref<125x128xbf16, #tpu.memory_space<vmem>>)
      %add3A_422 = arith.constant 8 : i32
      %add3A_423 = arith.addi %add3A_231, %add3A_422 : i32
      %add3A_424 = arith.constant 3 : i32
      %add3A_425 = arith.addi %add3A_423, %add3A_424 : i32
      %dma_start3A_426 = arith.constant 0 : i32
      %dma_start3A_427 = tpu.memref_slice %arg7[%add3A_425, %dma_start3A_426] : memref<80x125xi32, #tpu.memory_space<vmem>> -> memref<1x125xi32, #tpu.memory_space<vmem>>
      %dma_start3A_428 = tpu.memref_squeeze %dma_start3A_427 : memref<1x125xi32, #tpu.memory_space<vmem>> -> memref<125xi32, #tpu.memory_space<vmem>>
      %dma_start3A_429 = arith.constant 0 : i32
      %dma_start3A_430 = arith.constant 0 : i32
      %dma_start3A_431 = tpu.memref_slice %arg2[%dma_start3A_429, %dma_start3A_430] : memref<10000x128xbf16, #tpu.memory_space<hbm>> -> memref<10000x128xbf16, #tpu.memory_space<hbm>>
      tpu.enqueue_indirect_dma source(%dma_start3A_431 : memref<10000x128xbf16, #tpu.memory_space<hbm>>) target(%arg12 : memref<125x128xbf16, #tpu.memory_space<vmem>>) offsets(%dma_start3A_428 : memref<125xi32, #tpu.memory_space<vmem>>) semaphore(%arg21 : memref<!tpu.dma_semaphore, #tpu.memory_space<semaphore_mem>>)
      %add3A_432 = arith.constant 4 : i32
      %add3A_433 = arith.addi %add3A_231, %add3A_432 : i32
      %dma_wait3A_434 = arith.constant 0 : i32
      %dma_wait3A_435 = tpu.memref_slice %arg7[%add3A_433, %dma_wait3A_434] : memref<80x125xi32, #tpu.memory_space<vmem>> -> memref<1x125xi32, #tpu.memory_space<vmem>>
      %dma_wait3A_436 = tpu.memref_squeeze %dma_wait3A_435 : memref<1x125xi32, #tpu.memory_space<vmem>> -> memref<125xi32, #tpu.memory_space<vmem>>
      %dma_wait3A_437 = arith.constant 0 : i32
      %dma_wait3A_438 = arith.constant 0 : i32
      %dma_wait3A_439 = tpu.memref_slice %arg2[%dma_wait3A_437, %dma_wait3A_438] : memref<10000x128xbf16, #tpu.memory_space<hbm>> -> memref<10000x128xbf16, #tpu.memory_space<hbm>>
      tpu.wait_indirect_dma semaphore(%arg30 : memref<!tpu.dma_semaphore, #tpu.memory_space<semaphore_mem>>) src(%dma_wait3A_439 : memref<10000x128xbf16, #tpu.memory_space<hbm>>) dst(%arg13 : memref<125x128xbf16, #tpu.memory_space<vmem>>)
      %add3A_440 = arith.constant 8 : i32
      %add3A_441 = arith.addi %add3A_231, %add3A_440 : i32
      %add3A_442 = arith.constant 4 : i32
      %add3A_443 = arith.addi %add3A_441, %add3A_442 : i32
      %dma_start3A_444 = arith.constant 0 : i32
      %dma_start3A_445 = tpu.memref_slice %arg7[%add3A_443, %dma_start3A_444] : memref<80x125xi32, #tpu.memory_space<vmem>> -> memref<1x125xi32, #tpu.memory_space<vmem>>
      %dma_start3A_446 = tpu.memref_squeeze %dma_start3A_445 : memref<1x125xi32, #tpu.memory_space<vmem>> -> memref<125xi32, #tpu.memory_space<vmem>>
      %dma_start3A_447 = arith.constant 0 : i32
      %dma_start3A_448 = arith.constant 0 : i32
      %dma_start3A_449 = tpu.memref_slice %arg2[%dma_start3A_447, %dma_start3A_448] : memref<10000x128xbf16, #tpu.memory_space<hbm>> -> memref<10000x128xbf16, #tpu.memory_space<hbm>>
      tpu.enqueue_indirect_dma source(%dma_start3A_449 : memref<10000x128xbf16, #tpu.memory_space<hbm>>) target(%arg13 : memref<125x128xbf16, #tpu.memory_space<vmem>>) offsets(%dma_start3A_446 : memref<125xi32, #tpu.memory_space<vmem>>) semaphore(%arg22 : memref<!tpu.dma_semaphore, #tpu.memory_space<semaphore_mem>>)
      %add3A_450 = arith.constant 5 : i32
      %add3A_451 = arith.addi %add3A_231, %add3A_450 : i32
      %dma_wait3A_452 = arith.constant 0 : i32
      %dma_wait3A_453 = tpu.memref_slice %arg7[%add3A_451, %dma_wait3A_452] : memref<80x125xi32, #tpu.memory_space<vmem>> -> memref<1x125xi32, #tpu.memory_space<vmem>>
      %dma_wait3A_454 = tpu.memref_squeeze %dma_wait3A_453 : memref<1x125xi32, #tpu.memory_space<vmem>> -> memref<125xi32, #tpu.memory_space<vmem>>
      %dma_wait3A_455 = arith.constant 0 : i32
      %dma_wait3A_456 = arith.constant 0 : i32
      %dma_wait3A_457 = tpu.memref_slice %arg2[%dma_wait3A_455, %dma_wait3A_456] : memref<10000x128xbf16, #tpu.memory_space<hbm>> -> memref<10000x128xbf16, #tpu.memory_space<hbm>>
      tpu.wait_indirect_dma semaphore(%arg31 : memref<!tpu.dma_semaphore, #tpu.memory_space<semaphore_mem>>) src(%dma_wait3A_457 : memref<10000x128xbf16, #tpu.memory_space<hbm>>) dst(%arg14 : memref<125x128xbf16, #tpu.memory_space<vmem>>)
      %add3A_458 = arith.constant 8 : i32
      %add3A_459 = arith.addi %add3A_231, %add3A_458 : i32
      %add3A_460 = arith.constant 5 : i32
      %add3A_461 = arith.addi %add3A_459, %add3A_460 : i32
      %dma_start3A_462 = arith.constant 0 : i32
      %dma_start3A_463 = tpu.memref_slice %arg7[%add3A_461, %dma_start3A_462] : memref<80x125xi32, #tpu.memory_space<vmem>> -> memref<1x125xi32, #tpu.memory_space<vmem>>
      %dma_start3A_464 = tpu.memref_squeeze %dma_start3A_463 : memref<1x125xi32, #tpu.memory_space<vmem>> -> memref<125xi32, #tpu.memory_space<vmem>>
      %dma_start3A_465 = arith.constant 0 : i32
      %dma_start3A_466 = arith.constant 0 : i32
      %dma_start3A_467 = tpu.memref_slice %arg2[%dma_start3A_465, %dma_start3A_466] : memref<10000x128xbf16, #tpu.memory_space<hbm>> -> memref<10000x128xbf16, #tpu.memory_space<hbm>>
      tpu.enqueue_indirect_dma source(%dma_start3A_467 : memref<10000x128xbf16, #tpu.memory_space<hbm>>) target(%arg14 : memref<125x128xbf16, #tpu.memory_space<vmem>>) offsets(%dma_start3A_464 : memref<125xi32, #tpu.memory_space<vmem>>) semaphore(%arg23 : memref<!tpu.dma_semaphore, #tpu.memory_space<semaphore_mem>>)
      %add3A_468 = arith.constant 6 : i32
      %add3A_469 = arith.addi %add3A_231, %add3A_468 : i32
      %dma_wait3A_470 = arith.constant 0 : i32
      %dma_wait3A_471 = tpu.memref_slice %arg7[%add3A_469, %dma_wait3A_470] : memref<80x125xi32, #tpu.memory_space<vmem>> -> memref<1x125xi32, #tpu.memory_space<vmem>>
      %dma_wait3A_472 = tpu.memref_squeeze %dma_wait3A_471 : memref<1x125xi32, #tpu.memory_space<vmem>> -> memref<125xi32, #tpu.memory_space<vmem>>
      %dma_wait3A_473 = arith.constant 0 : i32
      %dma_wait3A_474 = arith.constant 0 : i32
      %dma_wait3A_475 = tpu.memref_slice %arg2[%dma_wait3A_473, %dma_wait3A_474] : memref<10000x128xbf16, #tpu.memory_space<hbm>> -> memref<10000x128xbf16, #tpu.memory_space<hbm>>
      tpu.wait_indirect_dma semaphore(%arg32 : memref<!tpu.dma_semaphore, #tpu.memory_space<semaphore_mem>>) src(%dma_wait3A_475 : memref<10000x128xbf16, #tpu.memory_space<hbm>>) dst(%arg15 : memref<125x128xbf16, #tpu.memory_space<vmem>>)
      %add3A_476 = arith.constant 8 : i32
      %add3A_477 = arith.addi %add3A_231, %add3A_476 : i32
      %add3A_478 = arith.constant 6 : i32
      %add3A_479 = arith.addi %add3A_477, %add3A_478 : i32
      %dma_start3A_480 = arith.constant 0 : i32
      %dma_start3A_481 = tpu.memref_slice %arg7[%add3A_479, %dma_start3A_480] : memref<80x125xi32, #tpu.memory_space<vmem>> -> memref<1x125xi32, #tpu.memory_space<vmem>>
      %dma_start3A_482 = tpu.memref_squeeze %dma_start3A_481 : memref<1x125xi32, #tpu.memory_space<vmem>> -> memref<125xi32, #tpu.memory_space<vmem>>
      %dma_start3A_483 = arith.constant 0 : i32
      %dma_start3A_484 = arith.constant 0 : i32
      %dma_start3A_485 = tpu.memref_slice %arg2[%dma_start3A_483, %dma_start3A_484] : memref<10000x128xbf16, #tpu.memory_space<hbm>> -> memref<10000x128xbf16, #tpu.memory_space<hbm>>
      tpu.enqueue_indirect_dma source(%dma_start3A_485 : memref<10000x128xbf16, #tpu.memory_space<hbm>>) target(%arg15 : memref<125x128xbf16, #tpu.memory_space<vmem>>) offsets(%dma_start3A_482 : memref<125xi32, #tpu.memory_space<vmem>>) semaphore(%arg24 : memref<!tpu.dma_semaphore, #tpu.memory_space<semaphore_mem>>)
      %add3A_486 = arith.constant 7 : i32
      %add3A_487 = arith.addi %add3A_231, %add3A_486 : i32
      %dma_wait3A_488 = arith.constant 0 : i32
      %dma_wait3A_489 = tpu.memref_slice %arg7[%add3A_487, %dma_wait3A_488] : memref<80x125xi32, #tpu.memory_space<vmem>> -> memref<1x125xi32, #tpu.memory_space<vmem>>
      %dma_wait3A_490 = tpu.memref_squeeze %dma_wait3A_489 : memref<1x125xi32, #tpu.memory_space<vmem>> -> memref<125xi32, #tpu.memory_space<vmem>>
      %dma_wait3A_491 = arith.constant 0 : i32
      %dma_wait3A_492 = arith.constant 0 : i32
      %dma_wait3A_493 = tpu.memref_slice %arg2[%dma_wait3A_491, %dma_wait3A_492] : memref<10000x128xbf16, #tpu.memory_space<hbm>> -> memref<10000x128xbf16, #tpu.memory_space<hbm>>
      tpu.wait_indirect_dma semaphore(%arg33 : memref<!tpu.dma_semaphore, #tpu.memory_space<semaphore_mem>>) src(%dma_wait3A_493 : memref<10000x128xbf16, #tpu.memory_space<hbm>>) dst(%arg16 : memref<125x128xbf16, #tpu.memory_space<vmem>>)
      %add3A_494 = arith.constant 8 : i32
      %add3A_495 = arith.addi %add3A_231, %add3A_494 : i32
      %add3A_496 = arith.constant 7 : i32
      %add3A_497 = arith.addi %add3A_495, %add3A_496 : i32
      %dma_start3A_498 = arith.constant 0 : i32
      %dma_start3A_499 = tpu.memref_slice %arg7[%add3A_497, %dma_start3A_498] : memref<80x125xi32, #tpu.memory_space<vmem>> -> memref<1x125xi32, #tpu.memory_space<vmem>>
      %dma_start3A_500 = tpu.memref_squeeze %dma_start3A_499 : memref<1x125xi32, #tpu.memory_space<vmem>> -> memref<125xi32, #tpu.memory_space<vmem>>
      %dma_start3A_501 = arith.constant 0 : i32
      %dma_start3A_502 = arith.constant 0 : i32
      %dma_start3A_503 = tpu.memref_slice %arg2[%dma_start3A_501, %dma_start3A_502] : memref<10000x128xbf16, #tpu.memory_space<hbm>> -> memref<10000x128xbf16, #tpu.memory_space<hbm>>
      tpu.enqueue_indirect_dma source(%dma_start3A_503 : memref<10000x128xbf16, #tpu.memory_space<hbm>>) target(%arg16 : memref<125x128xbf16, #tpu.memory_space<vmem>>) offsets(%dma_start3A_500 : memref<125xi32, #tpu.memory_space<vmem>>) semaphore(%arg25 : memref<!tpu.dma_semaphore, #tpu.memory_space<semaphore_mem>>)
    }
    %scan3A_59 = arith.constant 9 : i32
    %dma_wait3A = arith.constant 72 : i32
    %dma_wait3A_60 = arith.constant 0 : i32
    %dma_wait3A_61 = tpu.memref_slice %arg7[%dma_wait3A, %dma_wait3A_60] : memref<80x125xi32, #tpu.memory_space<vmem>> -> memref<1x125xi32, #tpu.memory_space<vmem>>
    %dma_wait3A_62 = tpu.memref_squeeze %dma_wait3A_61 : memref<1x125xi32, #tpu.memory_space<vmem>> -> memref<125xi32, #tpu.memory_space<vmem>>
    %dma_wait3A_63 = arith.constant 0 : i32
    %dma_wait3A_64 = arith.constant 0 : i32
    %dma_wait3A_65 = tpu.memref_slice %arg2[%dma_wait3A_63, %dma_wait3A_64] : memref<10000x128xbf16, #tpu.memory_space<hbm>> -> memref<10000x128xbf16, #tpu.memory_space<hbm>>
    tpu.wait_indirect_dma semaphore(%arg18 : memref<!tpu.dma_semaphore, #tpu.memory_space<semaphore_mem>>) src(%dma_wait3A_65 : memref<10000x128xbf16, #tpu.memory_space<hbm>>) dst(%arg9 : memref<125x128xbf16, #tpu.memory_space<vmem>>)
    %dma_start3A_66 = arith.constant 72 : i32
    %dma_start3A_67 = arith.constant 0 : i32
    %dma_start3A_68 = tpu.memref_slice %arg8[%dma_start3A_66, %dma_start3A_67] : memref<80x125xi32, #tpu.memory_space<vmem>> -> memref<1x125xi32, #tpu.memory_space<vmem>>
    %dma_start3A_69 = tpu.memref_squeeze %dma_start3A_68 : memref<1x125xi32, #tpu.memory_space<vmem>> -> memref<125xi32, #tpu.memory_space<vmem>>
    %dma_start3A_70 = arith.constant 0 : i32
    %dma_start3A_71 = arith.constant 0 : i32
    %dma_start3A_72 = tpu.memref_slice %arg17[%dma_start3A_70, %dma_start3A_71] : memref<10240x128xbf16, #tpu.memory_space<vmem_shared>> -> memref<10240x128xbf16, #tpu.memory_space<vmem_shared>>
    tpu.enqueue_indirect_dma source(%arg9 : memref<125x128xbf16, #tpu.memory_space<vmem>>) target(%dma_start3A_72 : memref<10240x128xbf16, #tpu.memory_space<vmem_shared>>) offsets(%dma_start3A_69 : memref<125xi32, #tpu.memory_space<vmem>>) semaphore(%arg26 : memref<!tpu.dma_semaphore, #tpu.memory_space<semaphore_mem>>) {add = true}
    %dma_wait3A_73 = arith.constant 73 : i32
    %dma_wait3A_74 = arith.constant 0 : i32
    %dma_wait3A_75 = tpu.memref_slice %arg7[%dma_wait3A_73, %dma_wait3A_74] : memref<80x125xi32, #tpu.memory_space<vmem>> -> memref<1x125xi32, #tpu.memory_space<vmem>>
    %dma_wait3A_76 = tpu.memref_squeeze %dma_wait3A_75 : memref<1x125xi32, #tpu.memory_space<vmem>> -> memref<125xi32, #tpu.memory_space<vmem>>
    %dma_wait3A_77 = arith.constant 0 : i32
    %dma_wait3A_78 = arith.constant 0 : i32
    %dma_wait3A_79 = tpu.memref_slice %arg2[%dma_wait3A_77, %dma_wait3A_78] : memref<10000x128xbf16, #tpu.memory_space<hbm>> -> memref<10000x128xbf16, #tpu.memory_space<hbm>>
    tpu.wait_indirect_dma semaphore(%arg19 : memref<!tpu.dma_semaphore, #tpu.memory_space<semaphore_mem>>) src(%dma_wait3A_79 : memref<10000x128xbf16, #tpu.memory_space<hbm>>) dst(%arg10 : memref<125x128xbf16, #tpu.memory_space<vmem>>)
    %dma_start3A_80 = arith.constant 73 : i32
    %dma_start3A_81 = arith.constant 0 : i32
    %dma_start3A_82 = tpu.memref_slice %arg8[%dma_start3A_80, %dma_start3A_81] : memref<80x125xi32, #tpu.memory_space<vmem>> -> memref<1x125xi32, #tpu.memory_space<vmem>>
    %dma_start3A_83 = tpu.memref_squeeze %dma_start3A_82 : memref<1x125xi32, #tpu.memory_space<vmem>> -> memref<125xi32, #tpu.memory_space<vmem>>
    %dma_start3A_84 = arith.constant 0 : i32
    %dma_start3A_85 = arith.constant 0 : i32
    %dma_start3A_86 = tpu.memref_slice %arg17[%dma_start3A_84, %dma_start3A_85] : memref<10240x128xbf16, #tpu.memory_space<vmem_shared>> -> memref<10240x128xbf16, #tpu.memory_space<vmem_shared>>
    tpu.enqueue_indirect_dma source(%arg10 : memref<125x128xbf16, #tpu.memory_space<vmem>>) target(%dma_start3A_86 : memref<10240x128xbf16, #tpu.memory_space<vmem_shared>>) offsets(%dma_start3A_83 : memref<125xi32, #tpu.memory_space<vmem>>) semaphore(%arg27 : memref<!tpu.dma_semaphore, #tpu.memory_space<semaphore_mem>>) {add = true}
    %dma_wait3A_87 = arith.constant 74 : i32
    %dma_wait3A_88 = arith.constant 0 : i32
    %dma_wait3A_89 = tpu.memref_slice %arg7[%dma_wait3A_87, %dma_wait3A_88] : memref<80x125xi32, #tpu.memory_space<vmem>> -> memref<1x125xi32, #tpu.memory_space<vmem>>
    %dma_wait3A_90 = tpu.memref_squeeze %dma_wait3A_89 : memref<1x125xi32, #tpu.memory_space<vmem>> -> memref<125xi32, #tpu.memory_space<vmem>>
    %dma_wait3A_91 = arith.constant 0 : i32
    %dma_wait3A_92 = arith.constant 0 : i32
    %dma_wait3A_93 = tpu.memref_slice %arg2[%dma_wait3A_91, %dma_wait3A_92] : memref<10000x128xbf16, #tpu.memory_space<hbm>> -> memref<10000x128xbf16, #tpu.memory_space<hbm>>
    tpu.wait_indirect_dma semaphore(%arg20 : memref<!tpu.dma_semaphore, #tpu.memory_space<semaphore_mem>>) src(%dma_wait3A_93 : memref<10000x128xbf16, #tpu.memory_space<hbm>>) dst(%arg11 : memref<125x128xbf16, #tpu.memory_space<vmem>>)
    %dma_start3A_94 = arith.constant 74 : i32
    %dma_start3A_95 = arith.constant 0 : i32
    %dma_start3A_96 = tpu.memref_slice %arg8[%dma_start3A_94, %dma_start3A_95] : memref<80x125xi32, #tpu.memory_space<vmem>> -> memref<1x125xi32, #tpu.memory_space<vmem>>
    %dma_start3A_97 = tpu.memref_squeeze %dma_start3A_96 : memref<1x125xi32, #tpu.memory_space<vmem>> -> memref<125xi32, #tpu.memory_space<vmem>>
    %dma_start3A_98 = arith.constant 0 : i32
    %dma_start3A_99 = arith.constant 0 : i32
    %dma_start3A_100 = tpu.memref_slice %arg17[%dma_start3A_98, %dma_start3A_99] : memref<10240x128xbf16, #tpu.memory_space<vmem_shared>> -> memref<10240x128xbf16, #tpu.memory_space<vmem_shared>>
    tpu.enqueue_indirect_dma source(%arg11 : memref<125x128xbf16, #tpu.memory_space<vmem>>) target(%dma_start3A_100 : memref<10240x128xbf16, #tpu.memory_space<vmem_shared>>) offsets(%dma_start3A_97 : memref<125xi32, #tpu.memory_space<vmem>>) semaphore(%arg28 : memref<!tpu.dma_semaphore, #tpu.memory_space<semaphore_mem>>) {add = true}
    %dma_wait3A_101 = arith.constant 75 : i32
    %dma_wait3A_102 = arith.constant 0 : i32
    %dma_wait3A_103 = tpu.memref_slice %arg7[%dma_wait3A_101, %dma_wait3A_102] : memref<80x125xi32, #tpu.memory_space<vmem>> -> memref<1x125xi32, #tpu.memory_space<vmem>>
    %dma_wait3A_104 = tpu.memref_squeeze %dma_wait3A_103 : memref<1x125xi32, #tpu.memory_space<vmem>> -> memref<125xi32, #tpu.memory_space<vmem>>
    %dma_wait3A_105 = arith.constant 0 : i32
    %dma_wait3A_106 = arith.constant 0 : i32
    %dma_wait3A_107 = tpu.memref_slice %arg2[%dma_wait3A_105, %dma_wait3A_106] : memref<10000x128xbf16, #tpu.memory_space<hbm>> -> memref<10000x128xbf16, #tpu.memory_space<hbm>>
    tpu.wait_indirect_dma semaphore(%arg21 : memref<!tpu.dma_semaphore, #tpu.memory_space<semaphore_mem>>) src(%dma_wait3A_107 : memref<10000x128xbf16, #tpu.memory_space<hbm>>) dst(%arg12 : memref<125x128xbf16, #tpu.memory_space<vmem>>)
    %dma_start3A_108 = arith.constant 75 : i32
    %dma_start3A_109 = arith.constant 0 : i32
    %dma_start3A_110 = tpu.memref_slice %arg8[%dma_start3A_108, %dma_start3A_109] : memref<80x125xi32, #tpu.memory_space<vmem>> -> memref<1x125xi32, #tpu.memory_space<vmem>>
    %dma_start3A_111 = tpu.memref_squeeze %dma_start3A_110 : memref<1x125xi32, #tpu.memory_space<vmem>> -> memref<125xi32, #tpu.memory_space<vmem>>
    %dma_start3A_112 = arith.constant 0 : i32
    %dma_start3A_113 = arith.constant 0 : i32
    %dma_start3A_114 = tpu.memref_slice %arg17[%dma_start3A_112, %dma_start3A_113] : memref<10240x128xbf16, #tpu.memory_space<vmem_shared>> -> memref<10240x128xbf16, #tpu.memory_space<vmem_shared>>
    tpu.enqueue_indirect_dma source(%arg12 : memref<125x128xbf16, #tpu.memory_space<vmem>>) target(%dma_start3A_114 : memref<10240x128xbf16, #tpu.memory_space<vmem_shared>>) offsets(%dma_start3A_111 : memref<125xi32, #tpu.memory_space<vmem>>) semaphore(%arg29 : memref<!tpu.dma_semaphore, #tpu.memory_space<semaphore_mem>>) {add = true}
    %dma_wait3A_115 = arith.constant 76 : i32
    %dma_wait3A_116 = arith.constant 0 : i32
    %dma_wait3A_117 = tpu.memref_slice %arg7[%dma_wait3A_115, %dma_wait3A_116] : memref<80x125xi32, #tpu.memory_space<vmem>> -> memref<1x125xi32, #tpu.memory_space<vmem>>
    %dma_wait3A_118 = tpu.memref_squeeze %dma_wait3A_117 : memref<1x125xi32, #tpu.memory_space<vmem>> -> memref<125xi32, #tpu.memory_space<vmem>>
    %dma_wait3A_119 = arith.constant 0 : i32
    %dma_wait3A_120 = arith.constant 0 : i32
    %dma_wait3A_121 = tpu.memref_slice %arg2[%dma_wait3A_119, %dma_wait3A_120] : memref<10000x128xbf16, #tpu.memory_space<hbm>> -> memref<10000x128xbf16, #tpu.memory_space<hbm>>
    tpu.wait_indirect_dma semaphore(%arg22 : memref<!tpu.dma_semaphore, #tpu.memory_space<semaphore_mem>>) src(%dma_wait3A_121 : memref<10000x128xbf16, #tpu.memory_space<hbm>>) dst(%arg13 : memref<125x128xbf16, #tpu.memory_space<vmem>>)
    %dma_start3A_122 = arith.constant 76 : i32
    %dma_start3A_123 = arith.constant 0 : i32
    %dma_start3A_124 = tpu.memref_slice %arg8[%dma_start3A_122, %dma_start3A_123] : memref<80x125xi32, #tpu.memory_space<vmem>> -> memref<1x125xi32, #tpu.memory_space<vmem>>
    %dma_start3A_125 = tpu.memref_squeeze %dma_start3A_124 : memref<1x125xi32, #tpu.memory_space<vmem>> -> memref<125xi32, #tpu.memory_space<vmem>>
    %dma_start3A_126 = arith.constant 0 : i32
    %dma_start3A_127 = arith.constant 0 : i32
    %dma_start3A_128 = tpu.memref_slice %arg17[%dma_start3A_126, %dma_start3A_127] : memref<10240x128xbf16, #tpu.memory_space<vmem_shared>> -> memref<10240x128xbf16, #tpu.memory_space<vmem_shared>>
    tpu.enqueue_indirect_dma source(%arg13 : memref<125x128xbf16, #tpu.memory_space<vmem>>) target(%dma_start3A_128 : memref<10240x128xbf16, #tpu.memory_space<vmem_shared>>) offsets(%dma_start3A_125 : memref<125xi32, #tpu.memory_space<vmem>>) semaphore(%arg30 : memref<!tpu.dma_semaphore, #tpu.memory_space<semaphore_mem>>) {add = true}
    %dma_wait3A_129 = arith.constant 77 : i32
    %dma_wait3A_130 = arith.constant 0 : i32
    %dma_wait3A_131 = tpu.memref_slice %arg7[%dma_wait3A_129, %dma_wait3A_130] : memref<80x125xi32, #tpu.memory_space<vmem>> -> memref<1x125xi32, #tpu.memory_space<vmem>>
    %dma_wait3A_132 = tpu.memref_squeeze %dma_wait3A_131 : memref<1x125xi32, #tpu.memory_space<vmem>> -> memref<125xi32, #tpu.memory_space<vmem>>
    %dma_wait3A_133 = arith.constant 0 : i32
    %dma_wait3A_134 = arith.constant 0 : i32
    %dma_wait3A_135 = tpu.memref_slice %arg2[%dma_wait3A_133, %dma_wait3A_134] : memref<10000x128xbf16, #tpu.memory_space<hbm>> -> memref<10000x128xbf16, #tpu.memory_space<hbm>>
    tpu.wait_indirect_dma semaphore(%arg23 : memref<!tpu.dma_semaphore, #tpu.memory_space<semaphore_mem>>) src(%dma_wait3A_135 : memref<10000x128xbf16, #tpu.memory_space<hbm>>) dst(%arg14 : memref<125x128xbf16, #tpu.memory_space<vmem>>)
    %dma_start3A_136 = arith.constant 77 : i32
    %dma_start3A_137 = arith.constant 0 : i32
    %dma_start3A_138 = tpu.memref_slice %arg8[%dma_start3A_136, %dma_start3A_137] : memref<80x125xi32, #tpu.memory_space<vmem>> -> memref<1x125xi32, #tpu.memory_space<vmem>>
    %dma_start3A_139 = tpu.memref_squeeze %dma_start3A_138 : memref<1x125xi32, #tpu.memory_space<vmem>> -> memref<125xi32, #tpu.memory_space<vmem>>
    %dma_start3A_140 = arith.constant 0 : i32
    %dma_start3A_141 = arith.constant 0 : i32
    %dma_start3A_142 = tpu.memref_slice %arg17[%dma_start3A_140, %dma_start3A_141] : memref<10240x128xbf16, #tpu.memory_space<vmem_shared>> -> memref<10240x128xbf16, #tpu.memory_space<vmem_shared>>
    tpu.enqueue_indirect_dma source(%arg14 : memref<125x128xbf16, #tpu.memory_space<vmem>>) target(%dma_start3A_142 : memref<10240x128xbf16, #tpu.memory_space<vmem_shared>>) offsets(%dma_start3A_139 : memref<125xi32, #tpu.memory_space<vmem>>) semaphore(%arg31 : memref<!tpu.dma_semaphore, #tpu.memory_space<semaphore_mem>>) {add = true}
    %dma_wait3A_143 = arith.constant 78 : i32
    %dma_wait3A_144 = arith.constant 0 : i32
    %dma_wait3A_145 = tpu.memref_slice %arg7[%dma_wait3A_143, %dma_wait3A_144] : memref<80x125xi32, #tpu.memory_space<vmem>> -> memref<1x125xi32, #tpu.memory_space<vmem>>
    %dma_wait3A_146 = tpu.memref_squeeze %dma_wait3A_145 : memref<1x125xi32, #tpu.memory_space<vmem>> -> memref<125xi32, #tpu.memory_space<vmem>>
    %dma_wait3A_147 = arith.constant 0 : i32
    %dma_wait3A_148 = arith.constant 0 : i32
    %dma_wait3A_149 = tpu.memref_slice %arg2[%dma_wait3A_147, %dma_wait3A_148] : memref<10000x128xbf16, #tpu.memory_space<hbm>> -> memref<10000x128xbf16, #tpu.memory_space<hbm>>
    tpu.wait_indirect_dma semaphore(%arg24 : memref<!tpu.dma_semaphore, #tpu.memory_space<semaphore_mem>>) src(%dma_wait3A_149 : memref<10000x128xbf16, #tpu.memory_space<hbm>>) dst(%arg15 : memref<125x128xbf16, #tpu.memory_space<vmem>>)
    %dma_start3A_150 = arith.constant 78 : i32
    %dma_start3A_151 = arith.constant 0 : i32
    %dma_start3A_152 = tpu.memref_slice %arg8[%dma_start3A_150, %dma_start3A_151] : memref<80x125xi32, #tpu.memory_space<vmem>> -> memref<1x125xi32, #tpu.memory_space<vmem>>
    %dma_start3A_153 = tpu.memref_squeeze %dma_start3A_152 : memref<1x125xi32, #tpu.memory_space<vmem>> -> memref<125xi32, #tpu.memory_space<vmem>>
    %dma_start3A_154 = arith.constant 0 : i32
    %dma_start3A_155 = arith.constant 0 : i32
    %dma_start3A_156 = tpu.memref_slice %arg17[%dma_start3A_154, %dma_start3A_155] : memref<10240x128xbf16, #tpu.memory_space<vmem_shared>> -> memref<10240x128xbf16, #tpu.memory_space<vmem_shared>>
    tpu.enqueue_indirect_dma source(%arg15 : memref<125x128xbf16, #tpu.memory_space<vmem>>) target(%dma_start3A_156 : memref<10240x128xbf16, #tpu.memory_space<vmem_shared>>) offsets(%dma_start3A_153 : memref<125xi32, #tpu.memory_space<vmem>>) semaphore(%arg32 : memref<!tpu.dma_semaphore, #tpu.memory_space<semaphore_mem>>) {add = true}
    %dma_wait3A_157 = arith.constant 79 : i32
    %dma_wait3A_158 = arith.constant 0 : i32
    %dma_wait3A_159 = tpu.memref_slice %arg7[%dma_wait3A_157, %dma_wait3A_158] : memref<80x125xi32, #tpu.memory_space<vmem>> -> memref<1x125xi32, #tpu.memory_space<vmem>>
    %dma_wait3A_160 = tpu.memref_squeeze %dma_wait3A_159 : memref<1x125xi32, #tpu.memory_space<vmem>> -> memref<125xi32, #tpu.memory_space<vmem>>
    %dma_wait3A_161 = arith.constant 0 : i32
    %dma_wait3A_162 = arith.constant 0 : i32
    %dma_wait3A_163 = tpu.memref_slice %arg2[%dma_wait3A_161, %dma_wait3A_162] : memref<10000x128xbf16, #tpu.memory_space<hbm>> -> memref<10000x128xbf16, #tpu.memory_space<hbm>>
    tpu.wait_indirect_dma semaphore(%arg25 : memref<!tpu.dma_semaphore, #tpu.memory_space<semaphore_mem>>) src(%dma_wait3A_163 : memref<10000x128xbf16, #tpu.memory_space<hbm>>) dst(%arg16 : memref<125x128xbf16, #tpu.memory_space<vmem>>)
    %dma_start3A_164 = arith.constant 79 : i32
    %dma_start3A_165 = arith.constant 0 : i32
    %dma_start3A_166 = tpu.memref_slice %arg8[%dma_start3A_164, %dma_start3A_165] : memref<80x125xi32, #tpu.memory_space<vmem>> -> memref<1x125xi32, #tpu.memory_space<vmem>>
    %dma_start3A_167 = tpu.memref_squeeze %dma_start3A_166 : memref<1x125xi32, #tpu.memory_space<vmem>> -> memref<125xi32, #tpu.memory_space<vmem>>
    %dma_start3A_168 = arith.constant 0 : i32
    %dma_start3A_169 = arith.constant 0 : i32
    %dma_start3A_170 = tpu.memref_slice %arg17[%dma_start3A_168, %dma_start3A_169] : memref<10240x128xbf16, #tpu.memory_space<vmem_shared>> -> memref<10240x128xbf16, #tpu.memory_space<vmem_shared>>
    tpu.enqueue_indirect_dma source(%arg16 : memref<125x128xbf16, #tpu.memory_space<vmem>>) target(%dma_start3A_170 : memref<10240x128xbf16, #tpu.memory_space<vmem_shared>>) offsets(%dma_start3A_167 : memref<125xi32, #tpu.memory_space<vmem>>) semaphore(%arg33 : memref<!tpu.dma_semaphore, #tpu.memory_space<semaphore_mem>>) {add = true}
    %dma_wait3A_171 = arith.constant 72 : i32
    %dma_wait3A_172 = arith.constant 0 : i32
    %dma_wait3A_173 = tpu.memref_slice %arg7[%dma_wait3A_171, %dma_wait3A_172] : memref<80x125xi32, #tpu.memory_space<vmem>> -> memref<1x125xi32, #tpu.memory_space<vmem>>
    %dma_wait3A_174 = tpu.memref_squeeze %dma_wait3A_173 : memref<1x125xi32, #tpu.memory_space<vmem>> -> memref<125xi32, #tpu.memory_space<vmem>>
    %dma_wait3A_175 = arith.constant 0 : i32
    %dma_wait3A_176 = arith.constant 0 : i32
    %dma_wait3A_177 = tpu.memref_slice %arg2[%dma_wait3A_175, %dma_wait3A_176] : memref<10000x128xbf16, #tpu.memory_space<hbm>> -> memref<10000x128xbf16, #tpu.memory_space<hbm>>
    tpu.wait_indirect_dma semaphore(%arg26 : memref<!tpu.dma_semaphore, #tpu.memory_space<semaphore_mem>>) src(%dma_wait3A_177 : memref<10000x128xbf16, #tpu.memory_space<hbm>>) dst(%arg9 : memref<125x128xbf16, #tpu.memory_space<vmem>>)
    %dma_wait3A_178 = arith.constant 73 : i32
    %dma_wait3A_179 = arith.constant 0 : i32
    %dma_wait3A_180 = tpu.memref_slice %arg7[%dma_wait3A_178, %dma_wait3A_179] : memref<80x125xi32, #tpu.memory_space<vmem>> -> memref<1x125xi32, #tpu.memory_space<vmem>>
    %dma_wait3A_181 = tpu.memref_squeeze %dma_wait3A_180 : memref<1x125xi32, #tpu.memory_space<vmem>> -> memref<125xi32, #tpu.memory_space<vmem>>
    %dma_wait3A_182 = arith.constant 0 : i32
    %dma_wait3A_183 = arith.constant 0 : i32
    %dma_wait3A_184 = tpu.memref_slice %arg2[%dma_wait3A_182, %dma_wait3A_183] : memref<10000x128xbf16, #tpu.memory_space<hbm>> -> memref<10000x128xbf16, #tpu.memory_space<hbm>>
    tpu.wait_indirect_dma semaphore(%arg27 : memref<!tpu.dma_semaphore, #tpu.memory_space<semaphore_mem>>) src(%dma_wait3A_184 : memref<10000x128xbf16, #tpu.memory_space<hbm>>) dst(%arg10 : memref<125x128xbf16, #tpu.memory_space<vmem>>)
    %dma_wait3A_185 = arith.constant 74 : i32
    %dma_wait3A_186 = arith.constant 0 : i32
    %dma_wait3A_187 = tpu.memref_slice %arg7[%dma_wait3A_185, %dma_wait3A_186] : memref<80x125xi32, #tpu.memory_space<vmem>> -> memref<1x125xi32, #tpu.memory_space<vmem>>
    %dma_wait3A_188 = tpu.memref_squeeze %dma_wait3A_187 : memref<1x125xi32, #tpu.memory_space<vmem>> -> memref<125xi32, #tpu.memory_space<vmem>>
    %dma_wait3A_189 = arith.constant 0 : i32
    %dma_wait3A_190 = arith.constant 0 : i32
    %dma_wait3A_191 = tpu.memref_slice %arg2[%dma_wait3A_189, %dma_wait3A_190] : memref<10000x128xbf16, #tpu.memory_space<hbm>> -> memref<10000x128xbf16, #tpu.memory_space<hbm>>
    tpu.wait_indirect_dma semaphore(%arg28 : memref<!tpu.dma_semaphore, #tpu.memory_space<semaphore_mem>>) src(%dma_wait3A_191 : memref<10000x128xbf16, #tpu.memory_space<hbm>>) dst(%arg11 : memref<125x128xbf16, #tpu.memory_space<vmem>>)
    %dma_wait3A_192 = arith.constant 75 : i32
    %dma_wait3A_193 = arith.constant 0 : i32
    %dma_wait3A_194 = tpu.memref_slice %arg7[%dma_wait3A_192, %dma_wait3A_193] : memref<80x125xi32, #tpu.memory_space<vmem>> -> memref<1x125xi32, #tpu.memory_space<vmem>>
    %dma_wait3A_195 = tpu.memref_squeeze %dma_wait3A_194 : memref<1x125xi32, #tpu.memory_space<vmem>> -> memref<125xi32, #tpu.memory_space<vmem>>
    %dma_wait3A_196 = arith.constant 0 : i32
    %dma_wait3A_197 = arith.constant 0 : i32
    %dma_wait3A_198 = tpu.memref_slice %arg2[%dma_wait3A_196, %dma_wait3A_197] : memref<10000x128xbf16, #tpu.memory_space<hbm>> -> memref<10000x128xbf16, #tpu.memory_space<hbm>>
    tpu.wait_indirect_dma semaphore(%arg29 : memref<!tpu.dma_semaphore, #tpu.memory_space<semaphore_mem>>) src(%dma_wait3A_198 : memref<10000x128xbf16, #tpu.memory_space<hbm>>) dst(%arg12 : memref<125x128xbf16, #tpu.memory_space<vmem>>)
    %dma_wait3A_199 = arith.constant 76 : i32
    %dma_wait3A_200 = arith.constant 0 : i32
    %dma_wait3A_201 = tpu.memref_slice %arg7[%dma_wait3A_199, %dma_wait3A_200] : memref<80x125xi32, #tpu.memory_space<vmem>> -> memref<1x125xi32, #tpu.memory_space<vmem>>
    %dma_wait3A_202 = tpu.memref_squeeze %dma_wait3A_201 : memref<1x125xi32, #tpu.memory_space<vmem>> -> memref<125xi32, #tpu.memory_space<vmem>>
    %dma_wait3A_203 = arith.constant 0 : i32
    %dma_wait3A_204 = arith.constant 0 : i32
    %dma_wait3A_205 = tpu.memref_slice %arg2[%dma_wait3A_203, %dma_wait3A_204] : memref<10000x128xbf16, #tpu.memory_space<hbm>> -> memref<10000x128xbf16, #tpu.memory_space<hbm>>
    tpu.wait_indirect_dma semaphore(%arg30 : memref<!tpu.dma_semaphore, #tpu.memory_space<semaphore_mem>>) src(%dma_wait3A_205 : memref<10000x128xbf16, #tpu.memory_space<hbm>>) dst(%arg13 : memref<125x128xbf16, #tpu.memory_space<vmem>>)
    %dma_wait3A_206 = arith.constant 77 : i32
    %dma_wait3A_207 = arith.constant 0 : i32
    %dma_wait3A_208 = tpu.memref_slice %arg7[%dma_wait3A_206, %dma_wait3A_207] : memref<80x125xi32, #tpu.memory_space<vmem>> -> memref<1x125xi32, #tpu.memory_space<vmem>>
    %dma_wait3A_209 = tpu.memref_squeeze %dma_wait3A_208 : memref<1x125xi32, #tpu.memory_space<vmem>> -> memref<125xi32, #tpu.memory_space<vmem>>
    %dma_wait3A_210 = arith.constant 0 : i32
    %dma_wait3A_211 = arith.constant 0 : i32
    %dma_wait3A_212 = tpu.memref_slice %arg2[%dma_wait3A_210, %dma_wait3A_211] : memref<10000x128xbf16, #tpu.memory_space<hbm>> -> memref<10000x128xbf16, #tpu.memory_space<hbm>>
    tpu.wait_indirect_dma semaphore(%arg31 : memref<!tpu.dma_semaphore, #tpu.memory_space<semaphore_mem>>) src(%dma_wait3A_212 : memref<10000x128xbf16, #tpu.memory_space<hbm>>) dst(%arg14 : memref<125x128xbf16, #tpu.memory_space<vmem>>)
    %dma_wait3A_213 = arith.constant 78 : i32
    %dma_wait3A_214 = arith.constant 0 : i32
    %dma_wait3A_215 = tpu.memref_slice %arg7[%dma_wait3A_213, %dma_wait3A_214] : memref<80x125xi32, #tpu.memory_space<vmem>> -> memref<1x125xi32, #tpu.memory_space<vmem>>
    %dma_wait3A_216 = tpu.memref_squeeze %dma_wait3A_215 : memref<1x125xi32, #tpu.memory_space<vmem>> -> memref<125xi32, #tpu.memory_space<vmem>>
    %dma_wait3A_217 = arith.constant 0 : i32
    %dma_wait3A_218 = arith.constant 0 : i32
    %dma_wait3A_219 = tpu.memref_slice %arg2[%dma_wait3A_217, %dma_wait3A_218] : memref<10000x128xbf16, #tpu.memory_space<hbm>> -> memref<10000x128xbf16, #tpu.memory_space<hbm>>
    tpu.wait_indirect_dma semaphore(%arg32 : memref<!tpu.dma_semaphore, #tpu.memory_space<semaphore_mem>>) src(%dma_wait3A_219 : memref<10000x128xbf16, #tpu.memory_space<hbm>>) dst(%arg15 : memref<125x128xbf16, #tpu.memory_space<vmem>>)
    %dma_wait3A_220 = arith.constant 79 : i32
    %dma_wait3A_221 = arith.constant 0 : i32
    %dma_wait3A_222 = tpu.memref_slice %arg7[%dma_wait3A_220, %dma_wait3A_221] : memref<80x125xi32, #tpu.memory_space<vmem>> -> memref<1x125xi32, #tpu.memory_space<vmem>>
    %dma_wait3A_223 = tpu.memref_squeeze %dma_wait3A_222 : memref<1x125xi32, #tpu.memory_space<vmem>> -> memref<125xi32, #tpu.memory_space<vmem>>
    %dma_wait3A_224 = arith.constant 0 : i32
    %dma_wait3A_225 = arith.constant 0 : i32
    %dma_wait3A_226 = tpu.memref_slice %arg2[%dma_wait3A_224, %dma_wait3A_225] : memref<10000x128xbf16, #tpu.memory_space<hbm>> -> memref<10000x128xbf16, #tpu.memory_space<hbm>>
    tpu.wait_indirect_dma semaphore(%arg33 : memref<!tpu.dma_semaphore, #tpu.memory_space<semaphore_mem>>) src(%dma_wait3A_226 : memref<10000x128xbf16, #tpu.memory_space<hbm>>) dst(%arg16 : memref<125x128xbf16, #tpu.memory_space<vmem>>)
    %barrier3A_227 = arith.constant 0 : index
    tpu.barrier barrier_id(%barrier3A_227)
    "tpu.region"() ({
      %run_scoped3A = tpu.sem_alloc : memref<!tpu.dma_semaphore, #tpu.memory_space<semaphore_mem>>
      %dma_start3A_228 = arith.constant 0 : i32
      %dma_start3A_229 = tpu.memref_slice %arg6[%arg0, %mul3A_55, %dma_start3A_228] : memref<2x10240x128xbf16, #tpu.memory_space<hbm>> -> memref<1x640x128xbf16, #tpu.memory_space<hbm>>
      %dma_start3A_230 = tpu.memref_squeeze %dma_start3A_229 : memref<1x640x128xbf16, #tpu.memory_space<hbm>> -> memref<640x128xbf16, #tpu.memory_space<hbm>>
      %dma_start3A_231 = arith.constant 0 : i32
      %dma_start3A_232 = tpu.memref_slice %arg17[%mul3A_55, %dma_start3A_231] : memref<10240x128xbf16, #tpu.memory_space<vmem_shared>> -> memref<640x128xbf16, #tpu.memory_space<vmem_shared>>
      tpu.enqueue_dma source(%dma_start3A_232 : memref<640x128xbf16, #tpu.memory_space<vmem_shared>>) target(%dma_start3A_230 : memref<640x128xbf16, #tpu.memory_space<hbm>>) target_semaphore(%run_scoped3A : memref<!tpu.dma_semaphore, #tpu.memory_space<semaphore_mem>>)
      %dma_wait3A_233 = arith.constant 0 : i32
      %dma_wait3A_234 = tpu.memref_slice %arg6[%arg0, %mul3A_55, %dma_wait3A_233] : memref<2x10240x128xbf16, #tpu.memory_space<hbm>> -> memref<1x640x128xbf16, #tpu.memory_space<hbm>>
      %dma_wait3A_235 = tpu.memref_squeeze %dma_wait3A_234 : memref<1x640x128xbf16, #tpu.memory_space<hbm>> -> memref<640x128xbf16, #tpu.memory_space<hbm>>
      %dma_wait3A_236 = arith.constant 0 : i32
      %dma_wait3A_237 = tpu.memref_slice %arg17[%mul3A_55, %dma_wait3A_236] : memref<10240x128xbf16, #tpu.memory_space<vmem_shared>> -> memref<640x128xbf16, #tpu.memory_space<vmem_shared>>
      tpu.wait_dma2 semaphore(%run_scoped3A : memref<!tpu.dma_semaphore, #tpu.memory_space<semaphore_mem>>) src(%dma_wait3A_237 : memref<640x128xbf16, #tpu.memory_space<vmem_shared>>) dst(%dma_wait3A_235 : memref<640x128xbf16, #tpu.memory_space<hbm>>)
      tpu.yield
    }) : () -> ()
    return
  }
}

module attributes {stable_mosaic.version = 14 : i64} {
  func.func @_tc_body(%arg0: i32, %arg1: memref<2x2000x128xbf16, #tpu.memory_space<vmem>>, %arg2: memref<2000x128xf32, #tpu.memory_space<vmem>>, %arg3: memref<128x128xf32, #tpu.memory_space<vmem>>, %arg4: memref<128x128xf32, #tpu.memory_space<vmem>>, %arg5: memref<1x128xf32, #tpu.memory_space<vmem>>, %arg6: memref<2000x128xf32, #tpu.memory_space<vmem>>) attributes {dimension_semantics = [#tpu.dimension_semantics<arbitrary>], iteration_bounds = array<i64: 5>, scalar_prefetch = 0 : i64, scratch_operands = 0 : i64, tpu.core_type = #tpu.core_type<tc>, window_params = [{transform_indices = @transform_0, window_bounds = array<i64: 2, 2000, 128>}, {transform_indices = @transform_1, window_bounds = array<i64: 2000, 128>}, {pipeline_mode = #tpu.pipeline_mode<synchronous>, transform_indices = @transform_2, window_bounds = array<i64: 128, 128>}, {pipeline_mode = #tpu.pipeline_mode<synchronous>, transform_indices = @transform_3, window_bounds = array<i64: 128, 128>}, {pipeline_mode = #tpu.pipeline_mode<synchronous>, transform_indices = @transform_4, window_bounds = array<i64: 1, 128>}, {transform_indices = @transform_5, window_bounds = array<i64: 2000, 128>}]} {
    %get3A = arith.constant 0 : index
    %get3A_0 = arith.constant 0 : index
    %get3A_1 = arith.constant 0 : index
    %get3A_2 = vector.load %arg1[%get3A, %get3A_0, %get3A_1] : memref<2x2000x128xbf16, #tpu.memory_space<vmem>>, vector<1x2000x128xbf16>
    %get3A_3 = vector.shape_cast %get3A_2 : vector<1x2000x128xbf16> to vector<2000x128xbf16>
    %get3A_4 = arith.constant 1 : index
    %get3A_5 = arith.constant 0 : index
    %get3A_6 = arith.constant 0 : index
    %get3A_7 = vector.load %arg1[%get3A_4, %get3A_5, %get3A_6] : memref<2x2000x128xbf16, #tpu.memory_space<vmem>>, vector<1x2000x128xbf16>
    %get3A_8 = vector.shape_cast %get3A_7 : vector<1x2000x128xbf16> to vector<2000x128xbf16>
    %add3A = arith.addf %get3A_3, %get3A_8 : vector<2000x128xbf16>
    %convert_element_type3A = arith.extf %add3A : vector<2000x128xbf16> to vector<2000x128xf32>
    %get3A_9 = arith.constant 0 : index
    %get3A_10 = arith.constant 0 : index
    %get3A_11 = vector.load %arg3[%get3A_9, %get3A_10] : memref<128x128xf32, #tpu.memory_space<vmem>>, vector<128x128xf32>
    %dot_general3A = arith.constant dense<0.000000e+00> : vector<2000x128xf32>
    %dot_general3A_12 = tpu.matmul %convert_element_type3A, %get3A_11, %dot_general3A {dimension_numbers = #tpu.dot_dimension_numbers<[1], [1], [0], [0], [0, 0, 1, 0], [], []>, transpose_lhs_hint = false} : vector<2000x128xf32>, vector<128x128xf32>, vector<2000x128xf32> -> vector<2000x128xf32>
    %get3A_13 = arith.constant 0 : index
    %get3A_14 = arith.constant 0 : index
    %get3A_15 = vector.load %arg2[%get3A_13, %get3A_14] : memref<2000x128xf32, #tpu.memory_space<vmem>>, vector<2000x128xf32>
    %get3A_16 = arith.constant 0 : index
    %get3A_17 = arith.constant 0 : index
    %get3A_18 = vector.load %arg4[%get3A_16, %get3A_17] : memref<128x128xf32, #tpu.memory_space<vmem>>, vector<128x128xf32>
    %dot_general3A_19 = arith.constant dense<0.000000e+00> : vector<2000x128xf32>
    %dot_general3A_20 = tpu.matmul %get3A_15, %get3A_18, %dot_general3A_19 {dimension_numbers = #tpu.dot_dimension_numbers<[1], [1], [0], [0], [0, 0, 1, 0], [], []>, transpose_lhs_hint = false} : vector<2000x128xf32>, vector<128x128xf32>, vector<2000x128xf32> -> vector<2000x128xf32>
    %add3A_21 = arith.addf %dot_general3A_12, %dot_general3A_20 : vector<2000x128xf32>
    %get3A_22 = arith.constant 0 : index
    %get3A_23 = arith.constant 0 : index
    %get3A_24 = vector.load %arg5[%get3A_22, %get3A_23] : memref<1x128xf32, #tpu.memory_space<vmem>>, vector<1x128xf32>
    %add3A_25 = vector.broadcast %get3A_24 : vector<1x128xf32> to vector<2000x128xf32>
    %add3A_26 = arith.addf %add3A_21, %add3A_25 : vector<2000x128xf32>
    %max3A = arith.constant 0.000000e+00 : f32
    %max3A_27 = vector.broadcast %max3A : f32 to vector<2000x128xf32>
    %max3A_28 = arith.maximumf %add3A_26, %max3A_27 : vector<2000x128xf32>
    %swap3A = arith.constant 0 : index
    %swap3A_29 = arith.constant 0 : index
    %swap3A_30 = vector.load %arg6[%swap3A, %swap3A_29] : memref<2000x128xf32, #tpu.memory_space<vmem>>, vector<2000x128xf32>
    tpu.vector_store %arg6[%swap3A, %swap3A_29], %max3A_28 {strides = array<i32>} : memref<2000x128xf32, #tpu.memory_space<vmem>>, vector<2000x128xf32>,
    return
  }
  func.func @transform_0(%arg0: i32) -> (i32, i32, i32) {
    %c0_i32 = arith.constant 0 : i32
    %c0_i32_0 = arith.constant 0 : i32
    %c0_i32_1 = arith.constant 0 : i32
    return %c0_i32, %arg0, %c0_i32_0 : i32, i32, i32
  }
  func.func @transform_1(%arg0: i32) -> (i32, i32) {
    %c0_i32 = arith.constant 0 : i32
    %c0_i32_0 = arith.constant 0 : i32
    return %arg0, %c0_i32 : i32, i32
  }
  func.func @transform_2(%arg0: i32) -> (i32, i32) {
    %c0_i32 = arith.constant 0 : i32
    %c0_i32_0 = arith.constant 0 : i32
    %c0_i32_1 = arith.constant 0 : i32
    return %c0_i32, %c0_i32_0 : i32, i32
  }
  func.func @transform_3(%arg0: i32) -> (i32, i32) {
    %c0_i32 = arith.constant 0 : i32
    %c0_i32_0 = arith.constant 0 : i32
    %c0_i32_1 = arith.constant 0 : i32
    return %c0_i32, %c0_i32_0 : i32, i32
  }
  func.func @transform_4(%arg0: i32) -> (i32, i32) {
    %c0_i32 = arith.constant 0 : i32
    %c0_i32_0 = arith.constant 0 : i32
    %c0_i32_1 = arith.constant 0 : i32
    return %c0_i32, %c0_i32_0 : i32, i32
  }
  func.func @transform_5(%arg0: i32) -> (i32, i32) {
    %c0_i32 = arith.constant 0 : i32
    %c0_i32_0 = arith.constant 0 : i32
    return %arg0, %c0_i32 : i32, i32
  }
}

</mosaic_0001>

<sc_bundles>
// kernel: kernel.4.cloned.1.call-start
scs
__scs_entry_jumppad:
0x0: {  	(pc) =	sbr.rel $0x88, $3  }
0x1: {  	(tag) =	ssettag $0x0;
	lr =	simm.s32 $0x1  }
0x2: {  	[smem:$0x3F9C] =	sst lr;
	_ =	strace $0xD0000000  }
0x3: {  	_ = 	snop  }
0x4: {  	_ = 	snop  }
0x5: {  	_ = 	snop  }
0x6: {  	_ = 	snop  }
0x7: {  	_ = 	snop  }
__scs_overlays_trampoline_lowered:
0x8: {  	[smem:$0x3FAB] =	sst s0  }
0x9: {  	[smem:$0x3FAC] =	sst s1  }
0xa: {  	[smem:$0x3FAD] =	sst s2  }
0xb: {  	[smem:$0x3FAE] =	sst s3  }
0xc: {  	[smem:$0x3FAF] =	sst s4  }
0xd: {  	[smem:$0x3FB0] =	sst s5  }
0xe: {  	[smem:$0x3FB1] =	sst s6  }
0xf: {  	[smem:$0x3FB2] =	sst s7  }
0x10: {  	[smem:$0x3FB3] =	sst s8  }
0x11: {  	[smem:$0x3FB4] =	sst s9;
	s0 =	simm.s32 @!p0 $0x0  }
0x12: {  	s1 =	sld [smem:$0x3F9A];
	s0 =	simm.s32 @p0 $0x1  }
0x13: {  	[smem:$0x3FB5] =	sst s0;
	s0 =	simm.s32 @!p1 $0x0  }
0x14: {  	s2 =	sld [smem:$0x3F99];
	s0 =	simm.s32 @p1 $0x1  }
0x15: {  	[smem:$0x3FB6] =	sst s0;
	s0 =	simm.s32 @!p2 $0x0  }
0x16: {  	s3 =	sld [smem:$0x3FDB];
	s0 =	simm.s32 @p2 $0x1  }
0x17: {  	s4 =	simm.s32 $0x1BF5;
	[smem:$0x3FB8] =	sst s0  }
0x18: {  	s0 =	sld [smem:$0x3F9B];
	_ =	swait.ge [sflag:s4], $0x0  }
0x19: {  	s7 =	sld [smem:$0x3F9C]  }
0x1a: {  	s8 =	sadd.s32 $0xFFFFE003, lr  }
0x1b: {  	s9 =	sadd.s32 $0xFFFFFEF7, lr;
	s5 =	simm.s32 $0xFFFFFFFF;
	p2 =	slt.u32 s8, $0xFFFFF086  }
0x1c: {  	p1 =	slt.u32 s9, $0xF7A;
	s5 =	simm.s32 @!p2 $0x0  }
0x1d: {  	s5 =	simm.s32 @p1 $0x1;
	p0 =	seq.s32 s7, s2  }
0x1e: {  	s7 =	smul.u32 @!p0 $0xF7A, s2;
	p2 =	seq.s32 @!p0 s5, $0x0  }
0x1f: {  	s9 =	smul.u32 $0xF7A, s1;
	s8 =	simm.s32 @!p0 $0x1BF5;
	p2 =	por !p2, p0  }
0x20: {  	[sflag:s8] =	ssyncset.s32 @!p0 $0xFFFFF086;
	s6 =	sadd.s32 @!p0 s3, s7;
	s7 =	simm.s32 @!p0 $0x108  }
0x21: {  	s3 =	sadd.s32 s3, s9;
	s6 =	sadd.s32 @!p0 $0x88, s6;
	s7 =	simm.s32 @p2 $0x1082  }
0x22: {  	[simem:s7], [sflag:s8] =	dma.local @!p0 [hbm:s6], $0xF7A  }
0x23: {  	s9 =	sor.u32 $0xD0000000, s2;
	s6 =	simm.s32 $0x108;
	_ =	swait.ge @!p0 [sflag:s8], $0x0  }
0x24: {  	s3 =	sadd.s32 $0x88, s3;
	s6 =	simm.s32 @!p1 $0x1082;
	[sflag:s4] =	ssyncset.s32 $0xFFFFF086  }
0x25: {  	[simem:s6], [sflag:s4] =	dma.local [hbm:s3], $0xF7A  }
0x26: {  	[smem:$0x3F9C] =	sst s1;
	(tag) =	ssettag s2;
	_ =	strace s9  }
0x27: {  	s1 =	sld [smem:$0x3FAC]  }
0x28: {  	s2 =	sld [smem:$0x3FAD]  }
0x29: {  	s4 =	sld [smem:$0x3FAF]  }
0x2a: {  	p0 =	seq.s32 s5, $0x0;
	s5 =	sld [smem:$0x3FB0]  }
0x2b: {  	s6 =	sld [smem:$0x3FB1]  }
0x2c: {  	s7 =	sld [smem:$0x3FB2]  }
0x2d: {  	s3 =	simm.s32 $0x108;
	s8 =	sld [smem:$0x3FB3]  }
0x2e: {  	s3 =	simm.s32 @!p0 $0x1082;
	s9 =	sld [smem:$0x3FB4]  }
0x2f: {  	lr =	sadd.s32 s0, s3;
	s0 =	sld [smem:$0x3FAB]  }
0x30: {  	s3 =	sld [smem:$0x3FAE]  }
0x31: {  	[smem:$0x3FB7] =	sst s10  }
0x32: {  	s10 =	sld [smem:$0x3FB5];
	_ =	sdelay $0x3  }
0x33: {  	p0 =	seq.s32 s10, $0x1;
	s10 =	sld [smem:$0x3FB7];
	_ =	sdelay $0x3  }
0x34: {  	[smem:$0x3FB7] =	sst s10  }
0x35: {  	s10 =	sld [smem:$0x3FB6];
	_ =	sdelay $0x3  }
0x36: {  	p1 =	seq.s32 s10, $0x1;
	s10 =	sld [smem:$0x3FB7];
	_ =	sdelay $0x3  }
0x37: {  	[smem:$0x3FB7] =	sst s10  }
0x38: {  	s10 =	sld [smem:$0x3FB8]  }
0x39: {  	_ = 	snop;
	(pc) =	sbr.ind lr, $3  }
0x3a: {  	_ = 	snop  }
0x3b: {  	_ = 	snop  }
0x3c: {  	p2 =	seq.s32 s10, $0x1;
	s10 =	sld [smem:$0x3FB7]  }
0x3d: {  	_ =	shalt  }
0x3e: {  	_ =	shalt  }
0x3f: {  	_ =	shalt  }
0x40: {  	_ =	shalt  }
0x41: {  	_ =	shalt  }
0x42: {  	_ =	shalt  }
0x43: {  	_ =	shalt  }
0x44: {  	_ =	shalt  }
0x45: {  	_ =	shalt  }
0x46: {  	_ =	shalt  }
0x47: {  	_ =	shalt  }
0x48: {  	_ =	shalt  }
0x49: {  	_ =	shalt  }
0x4a: {  	_ =	shalt  }
0x4b: {  	_ =	shalt  }
0x4c: {  	_ =	shalt  }
0x4d: {  	_ =	shalt  }
0x4e: {  	_ =	shalt  }
0x4f: {  	_ =	shalt  }
0x50: {  	_ =	shalt  }
0x51: {  	_ =	shalt  }
0x52: {  	_ =	shalt  }
0x53: {  	_ =	shalt  }
0x54: {  	_ =	shalt  }
0x55: {  	_ =	shalt  }
0x56: {  	_ =	shalt  }
0x57: {  	_ =	shalt  }
0x58: {  	_ =	shalt  }
0x59: {  	_ =	shalt  }
0x5a: {  	_ =	shalt  }
0x5b: {  	_ =	shalt  }
0x5c: {  	_ =	shalt  }
0x5d: {  	_ =	shalt  }
0x5e: {  	_ =	shalt  }
0x5f: {  	_ =	shalt  }
0x60: {  	_ =	shalt  }
0x61: {  	_ =	shalt  }
0x62: {  	_ =	shalt  }
0x63: {  	_ =	shalt  }
0x64: {  	_ =	shalt  }
0x65: {  	_ =	shalt  }
0x66: {  	_ =	shalt  }
0x67: {  	_ =	shalt  }
0x68: {  	_ =	shalt  }
0x69: {  	_ =	shalt  }
0x6a: {  	_ =	shalt  }
0x6b: {  	_ =	shalt  }
0x6c: {  	_ =	shalt  }
0x6d: {  	_ =	shalt  }
0x6e: {  	_ =	shalt  }
0x6f: {  	_ =	shalt  }
0x70: {  	_ =	shalt  }
0x71: {  	_ =	shalt  }
0x72: {  	_ =	shalt  }
0x73: {  	_ =	shalt  }
0x74: {  	_ =	shalt  }
0x75: {  	_ =	shalt  }
0x76: {  	_ =	shalt  }
0x77: {  	_ =	shalt  }
0x78: {  	_ =	shalt  }
0x79: {  	_ =	shalt  }
0x7a: {  	_ =	shalt  }
0x7b: {  	_ =	shalt  }
0x7c: {  	_ =	shalt  }
0x7d: {  	_ =	shalt  }
0x7e: {  	_ =	shalt  }
0x7f: {  	_ =	shalt  }
0x80: {  	_ =	shalt  }
0x81: {  	_ =	shalt  }
0x82: {  	_ =	shalt  }
0x83: {  	_ =	shalt  }
0x84: {  	_ =	shalt  }
0x85: {  	_ =	shalt  }
0x86: {  	_ =	shalt  }
0x87: {  	_ =	shalt  }
.Lfunc_end0:
.L_simem_size_0:
called_computation_lowered:
.L_overlay_start_0:
0x88: {  	s2 =	sld [smem:$0x3FD9]  }
0x89: {  	s3 =	sld [smem:$0x3FFE];
	_ =	sdelay $0x1  }
0x8a: {  	s1 =	srdreg.scid  }
0x8b: {  	s0 =	sand.u32 $0x1, s1  }
0x8c: {  	s17 =	sshll.u32 s0, $0xA;
	s2 =	sadd.s32 s3, s2  }
0x8d: {  	s2 =	sadd.s32 s2, s17  }
0x8e: {  	[smem:$0x3FC3] =	sst s2  }
0x8f: {  	_ = 	snop  }
0x90: {  	s2 =	sld [smem:$0x3FD0];
	(tm) =	ssettm $0x1  }
0x91: {  	s18 =	sld [smem:$0x3FFB];
	_ =	sdelay $0x3  }
0x92: {  	_ =	strace s18  }
0x93: {  	s3 =	sld [smem:$0x3FFC];
	_ =	sdelay $0x3  }
0x94: {  	_ =	strace s3  }
0x95: {  	s3 =	sld [smem:$0x3FFD];
	_ =	sdelay $0x3  }
0x96: {  	_ =	strace s3  }
0x97: {  	_ =	strace $0x8FFFFFFF  }
0x98: {  	s19 =	sld [smem:$0x3FDB];
	_ =	sdelay $0x1  }
0x99: {  	s4 =	simm.s32 $_scs_section_size  }
0x9a: {  	s5 =	simm.s32 $_size__tile_overlayer_lowered;
	s6 =	simm.s32 $_tile_overlayer_lowered  }
0x9b: {  	s22 =	simm.s32 $0x1BFF;
	s21 =	sshll.u32 s6, $0x1;
	s3 =	sadd.s32 s4, s19  }
0x9c: {  	s7 =	simm.s32 $0x0;
	s20 =	sshll.u32 s5, $0x1;
	s5 =	sadd.s32 s21, s3  }
0x9d: {  	[timem:s7], [sflag:s22] =	dma.local [hbm:s5], s20  }
0x9e: {  	_ =	swait.ge [sflag:s22], s20  }
0x9f: {  	s4 =	ssub.s32 $0x0, s20;
	[sflag:s22] =	ssyncset.done $0x0  }
0xa0: {  	[sflag:s22] =	ssyncadd.s32 s4;
	_ =	sdelay $0x1  }
0xa1: {  	s23 =	simm.s32 $0x1B8B  }
0xa2: {  	_ =	swait.ge [sflag:s23], $0x1  }
0xa3: {  	[sflag:s23] =	ssyncset.done $0x0  }
0xa4: {  	s25 =	simm.s32 $0x1B8E;
	s24 =	sld [smem:$0x3FFE];
	[sflag:s23] =	ssyncadd.s32 $0xFFFFFFFF  }
0xa5: {  	s26 =	simm.s32 $execute0_lowered;
	[smem:$0x3FD2] =	sst s25  }
0xa6: {  	s5 =	sshll.u32 s26, $0x1;
	_ =	strace $0x80000046;
	[dreg:$0x1] =	wrdreg $0xFFFFFFFF  }
0xa7: {  	s28 =	simm.s32 $_size_execute0_lowered;
	s3 =	sadd.s32 s3, s5;
	[dreg:$0x0] =	wrdreg $0x0  }
0xa8: {  	s5 =	sshll.u32 s28, $0x1;
	[dreg:$0x2] =	wrdreg s3  }
0xa9: {  	[dreg:$0x3] =	wrdreg s5  }
0xaa: {  	[dreg:$0x4] =	wrdreg $0xC0  }
0xab: {  	_ =	task [dreg:s7], $0x5FFFF  }
0xac: {  	[dreg:$0x1] =	wrdreg $0xFFFFFFFF  }
0xad: {  	[dreg:$0x0] =	wrdreg $0x60  }
0xae: {  	[dreg:$0x2] =	wrdreg s2  }
0xaf: {  	[dreg:$0x3] =	wrdreg s24  }
0xb0: {  	[dreg:$0x4] =	wrdreg $0x14A000  }
0xb1: {  	[dreg:$0x5] =	wrdreg $0x9  }
0xb2: {  	_ =	task.clear_ibuf [dreg:s7], $0x6FFFF;
	_ =	strace $0x90000046  }
0xb3: {  	s29 =	simm.s32 $0x9;
	_ =	strace $0x80000048  }
0xb4: {  	_ =	swait.ge [sflag:s29], $0x1  }
0xb5: {  	[sflag:s29] =	ssyncadd.s32 $0xFFFFFFFF  }
0xb6: {  	_ =	strace $0x90000048  }
0xb7: {  	_ =	sfence  }
0xb8: {  	s30 =	sld [smem:$0x0];
	_ =	sdelay $0x2  }
0xb9: {  	s31 =	sshll.u32 s1, $0xD;
	s1 =	sshrl.u32 s1, $0x2  }
0xba: {  	s3 =	sand.u32 $0x4000, s31;
	s1 =	sadd.s32 s1, s30  }
0xbb: {  	s0 =	sor.u32 s3, s0;
	s1 =	sshll.u32 s1, $0x11  }
0xbc: {  	s0 =	sor.u32 s1, s0  }
0xbd: {  	s0 =	sadd.s32 $0x8F2B, s0  }
0xbe: {  	[sflag:s0] =	ssyncadd.remote.s32 $0x1  }
0xbf: {  	_ =	sfence.sel $0xFFFF  }
0xc0: {  	[dreg:$0x0] =	wrdreg $0xFFFFFFFF;
	(pc) =	sbr.abs _section_cstart, $3  }
0xc1: {  	[dreg:$0x1] =	wrdreg $0xFFFFFFFF  }
0xc2: {  	_ =	task.clear_ibuf [dreg:s7], $0x2FFFF;
	_ =	strace $0x9FFFFFFF  }
0xc3: {  	(tm) =	ssettm $0x7FFFFFFF  }
tec
execute0_lowered:
.L_overlay_start_1:
0x0: {  	(tag) =	ssettag $0x1  }
0x1: {  	s1 =	rddreg [dreg:$0x0]  }
0x2: {  	s0 =	srdreg.scid;
	s2 =	rddreg [dreg:$0x1]  }
0x3: {  	s6 =	stileid.u32;
	s3 =	rddreg [dreg:$0x2]  }
0x4: {  	s7 =	simm.s32 $0x0;
	s11 =	simm.s32 $0x11;
	s13 =	simm.s32 $0x7D  }
0x5: {  	s14 =	simm.s32 $0x5000;
	s16 =	simm.s32 $0x6F40;
	s18 =	simm.s32 $0x8E80  }
0x6: {  	s20 =	simm.s32 $0xADC0;
	s29 =	simm.s32 $0x12AC0;
	s30 =	simm.s32 $0x1  }
0x7: {  	s31 =	simm.s32 $0x2;
	s12 =	simm.s32 $0x4;
	s15 =	simm.s32 $0x5  }
0x8: {  	s17 =	simm.s32 $0x7;
	s19 =	simm.s32 $0x8;
	s28 =	simm.s32 $0xC  }
0x9: {  	s8 =	simm.s32 $0x10;
	s9 =	simm.s32 $0x0;
	s5 =	smul.u32 $0x2800, s6  }
0xa: {  	s0 =	sand.u32 $0x1, s0;
	s6 =	smul.u32 $0x14000, s6;
	[smem:$0x7FF] =	sst s7  }
0xb: {  	s22 =	sadd.s32 $0xC00, s2;
	s7 =	simm.s32 $0xF;
	s4 =	smul.u32 $0x28000, s0  }
0xc: {  	s21 =	smul.u32 $0x140000, s0;
	_ =	strace $0x80000047;
	s0 =	ssub.s32 $0x2, s0  }
0xd: {  	[dreg:$0x4] =	wrdreg s22;
	s22 =	simm.s32 $0xCD00;
	s23 =	sshrl.u32 s0, $0x1  }
0xe: {  	s24 =	sshrl.u32 s6, $0x1;
	s4 =	sadd.s32 s5, s4;
	s5 =	sadd.s32 s6, s21  }
0xf: {  	s0 =	ssub.s32 s0, s23;
	s26 =	sadd.s32 s24, s3;
	s24 =	simm.s32 $0xEC40  }
0x10: {  	s21 =	simm.s32 $0x9;
	s23 =	simm.s32 $0xA;
	s6 =	simm.s32 $0xE  }
0x11: {  	s4 =	sshrl.u32 s4, $0x3;
	s5 =	sshrl.u32 s5, $0x4;
	[dreg:$0x7] =	wrdreg s26  }
0x12: {  	s0 =	smax.u32 s0, $0x1;
	s26 =	simm.s32 $0x10B80;
	s4 =	sadd.s32 s4, s2  }
0x13: {  	s2 =	sadd.s32 s5, s2;
	[dreg:$0x9] =	wrdreg s0;
	s25 =	sadd.s32 $0xC000, s4  }
0x14: {  	s0 =	simm.s32 $0x6;
	s4 =	sadd.s32 $0x2000, s4;
	[dreg:$0x5] =	wrdreg s25  }
0x15: {  	s5 =	simm.s32 $0xD;
	s2 =	sadd.s32 $0x16000, s2;
	[dreg:$0x6] =	wrdreg s4  }
0x16: {  	[dreg:$0x8] =	wrdreg s2;
	s2 =	simm.s32 $0x3;
	s25 =	simm.s32 $0xB  }
.LBB2_1:
0x17: {  	[dreg:$0xa] =	wrdreg s9  }
0x18: {  	s4 =	simm.s32 $0x0;
	s10 =	rddreg [dreg:$0x5]  }
0x19: {  	[tilespmem:s4], [sflag:$0x11] =	stream.linear.gather [hbm4b:s10+s4], $0x2800, $0x38;
	[tilespmem:$0x1EA00] =	vst v63  }
0x1a: {  	_ =	swait.ge [sflag:s11], $0x2800  }
0x1b: {  	[sflag:s11] =	ssyncset.done $0x0  }
0x1c: {  	s9 =	simm.s32 $0x2800;
	s10 =	rddreg [dreg:$0x6];
	[sflag:s11] =	ssyncadd.s32 $0xFFFFD800  }
0x1d: {  	[tilespmem:s9], [sflag:$0x11] =	stream.linear.gather [hbm4b:s10+s4], $0x2800, $0x38;
	[tilespmem:$0x1EA00] =	vst v63  }
0x1e: {  	_ =	swait.ge [sflag:s11], $0x2800  }
0x1f: {  	[sflag:s11] =	ssyncset.done $0x0  }
0x20: {  	[sflag:s11] =	ssyncadd.s32 $0xFFFFD800  }
0x21: {  	[tilespmem:s14], [sflag:$0x1] =	stream.indirect.gather [hbm4b:s1+s13], $0x40, s4, s13, $0xb8;
	[tilespmem:$0x1EA00] =	vst v63  }
0x22: {  	s10 =	simm.s32 $0x80  }
0x23: {  	[tilespmem:s16], [sflag:$0x2] =	stream.indirect.gather [hbm4b:s1+s13], $0x40, s10, s13, $0xb8;
	[tilespmem:$0x1EA00] =	vst v63  }
0x24: {  	s9 =	simm.s32 $0x100  }
0x25: {  	[tilespmem:s18], [sflag:$0x3] =	stream.indirect.gather [hbm4b:s1+s13], $0x40, s9, s13, $0xb8;
	[tilespmem:$0x1EA00] =	vst v63  }
0x26: {  	s10 =	simm.s32 $0x180  }
0x27: {  	[tilespmem:s20], [sflag:$0x4] =	stream.indirect.gather [hbm4b:s1+s13], $0x40, s10, s13, $0xb8;
	[tilespmem:$0x1EA00] =	vst v63  }
0x28: {  	s9 =	simm.s32 $0x200  }
0x29: {  	[tilespmem:s22], [sflag:$0x5] =	stream.indirect.gather [hbm4b:s1+s13], $0x40, s9, s13, $0xb8;
	[tilespmem:$0x1EA00] =	vst v63  }
0x2a: {  	s10 =	simm.s32 $0x280  }
0x2b: {  	[tilespmem:s24], [sflag:$0x6] =	stream.indirect.gather [hbm4b:s1+s13], $0x40, s10, s13, $0xb8;
	[tilespmem:$0x1EA00] =	vst v63  }
0x2c: {  	s9 =	simm.s32 $0x300  }
0x2d: {  	[tilespmem:s26], [sflag:$0x7] =	stream.indirect.gather [hbm4b:s1+s13], $0x40, s9, s13, $0xb8;
	[tilespmem:$0x1EA00] =	vst v63  }
0x2e: {  	s10 =	simm.s32 $0x380;
	s9 =	stileid.u32  }
0x2f: {  	[tilespmem:s29], [sflag:$0x8] =	stream.indirect.gather [hbm4b:s1+s13], $0x40, s10, s13, $0xb8;
	[tilespmem:$0x1EA00] =	vst v63  }
0x30: {  	s4 =	sshll.u32 s9, $0x6;
	s10 =	rddreg [dreg:$0x7]  }
0x31: {  	s9 =	sor.u32 $0x1C11, s4;
	s4 =	rddreg [dreg:$0x4];
	s10 =	sshrl.u32 s10, $0x3  }
0x32: {  	[dreg:$0xb] =	wrdreg s10  }
0x33: {  	[spmem:s10], [sflag:s9] =	dma.local [hbm:s4], $0x1400  }
0x34: {  	_ =	swait.ge [sflag:s11], $0x1400  }
0x35: {  	[sflag:s11] =	ssyncset.done $0x0  }
0x36: {  	[sflag:s11] =	ssyncadd.s32 $0xFFFFEC00  }
0x37: {  	[bflag:$0x0] =	sbarrier.arrive $0xFFFF  }
0x38: {  	_ =	swait.ge [sflag:s30], $0x1F40  }
0x39: {  	[sflag:s30] =	ssyncset.done $0x0  }
0x3a: {  	s11 =	simm.s32 $0x2800;
	[sflag:s30] =	ssyncadd.s32 $0xFFFFE0C0  }
0x3b: {  	[spmem:s3] =	stream.indirect.scatter.add.bf16 [tilespmem:s14], [sflag:$0x9], $0x40, s11, s13, $0xb8;
	[tilespmem:$0x1EA00] =	vst v63  }
0x3c: {  	_ =	swait.ge [sflag:s31], $0x1F40  }
0x3d: {  	[sflag:s31] =	ssyncset.done $0x0  }
0x3e: {  	s10 =	simm.s32 $0x2880;
	[sflag:s31] =	ssyncadd.s32 $0xFFFFE0C0  }
0x3f: {  	[spmem:s3] =	stream.indirect.scatter.add.bf16 [tilespmem:s16], [sflag:$0xA], $0x40, s10, s13, $0xb8;
	[tilespmem:$0x1EA00] =	vst v63  }
0x40: {  	_ =	swait.ge [sflag:s2], $0x1F40  }
0x41: {  	[sflag:s2] =	ssyncset.done $0x0  }
0x42: {  	s11 =	simm.s32 $0x2900;
	[sflag:s2] =	ssyncadd.s32 $0xFFFFE0C0  }
0x43: {  	[spmem:s3] =	stream.indirect.scatter.add.bf16 [tilespmem:s18], [sflag:$0xB], $0x40, s11, s13, $0xb8;
	[tilespmem:$0x1EA00] =	vst v63  }
0x44: {  	_ =	swait.ge [sflag:s12], $0x1F40  }
0x45: {  	[sflag:s12] =	ssyncset.done $0x0  }
0x46: {  	s10 =	simm.s32 $0x2980;
	[sflag:s12] =	ssyncadd.s32 $0xFFFFE0C0  }
0x47: {  	[spmem:s3] =	stream.indirect.scatter.add.bf16 [tilespmem:s20], [sflag:$0xC], $0x40, s10, s13, $0xb8;
	[tilespmem:$0x1EA00] =	vst v63  }
0x48: {  	_ =	swait.ge [sflag:s15], $0x1F40  }
0x49: {  	[sflag:s15] =	ssyncset.done $0x0  }
0x4a: {  	s11 =	simm.s32 $0x2A00;
	[sflag:s15] =	ssyncadd.s32 $0xFFFFE0C0  }
0x4b: {  	[spmem:s3] =	stream.indirect.scatter.add.bf16 [tilespmem:s22], [sflag:$0xD], $0x40, s11, s13, $0xb8;
	[tilespmem:$0x1EA00] =	vst v63  }
0x4c: {  	_ =	swait.ge [sflag:s0], $0x1F40  }
0x4d: {  	[sflag:s0] =	ssyncset.done $0x0  }
0x4e: {  	s10 =	simm.s32 $0x2A80;
	[sflag:s0] =	ssyncadd.s32 $0xFFFFE0C0  }
0x4f: {  	[spmem:s3] =	stream.indirect.scatter.add.bf16 [tilespmem:s24], [sflag:$0xE], $0x40, s10, s13, $0xb8;
	[tilespmem:$0x1EA00] =	vst v63  }
0x50: {  	_ =	swait.ge [sflag:s17], $0x1F40  }
0x51: {  	[sflag:s17] =	ssyncset.done $0x0  }
0x52: {  	s11 =	simm.s32 $0x2B00;
	[sflag:s17] =	ssyncadd.s32 $0xFFFFE0C0  }
0x53: {  	[spmem:s3] =	stream.indirect.scatter.add.bf16 [tilespmem:s26], [sflag:$0xF], $0x40, s11, s13, $0xb8;
	[tilespmem:$0x1EA00] =	vst v63  }
0x54: {  	_ =	swait.ge [sflag:s19], $0x1F40  }
0x55: {  	[sflag:s19] =	ssyncset.done $0x0  }
0x56: {  	s10 =	simm.s32 $0x2B80;
	[sflag:s19] =	ssyncadd.s32 $0xFFFFE0C0  }
0x57: {  	[spmem:s3] =	stream.indirect.scatter.add.bf16 [tilespmem:s29], [sflag:$0x10], $0x40, s10, s13, $0xb8;
	[tilespmem:$0x1EA00] =	vst v63  }
0x58: {  	_ =	swait.ge [sflag:s21], $0x1F40  }
0x59: {  	[sflag:s21] =	ssyncset.done $0x0  }
0x5a: {  	s11 =	simm.s32 $0x400;
	[sflag:s21] =	ssyncadd.s32 $0xFFFFE0C0  }
0x5b: {  	[tilespmem:s14], [sflag:$0x1] =	stream.indirect.gather [hbm4b:s1+s13], $0x40, s11, s13, $0xb8;
	[tilespmem:$0x1EA00] =	vst v63  }
0x5c: {  	_ =	swait.ge [sflag:s23], $0x1F40  }
0x5d: {  	[sflag:s23] =	ssyncset.done $0x0  }
0x5e: {  	s10 =	simm.s32 $0x480;
	[sflag:s23] =	ssyncadd.s32 $0xFFFFE0C0  }
0x5f: {  	[tilespmem:s16], [sflag:$0x2] =	stream.indirect.gather [hbm4b:s1+s13], $0x40, s10, s13, $0xb8;
	[tilespmem:$0x1EA00] =	vst v63  }
0x60: {  	_ =	swait.ge [sflag:s25], $0x1F40  }
0x61: {  	[sflag:s25] =	ssyncset.done $0x0  }
0x62: {  	s11 =	simm.s32 $0x500;
	[sflag:s25] =	ssyncadd.s32 $0xFFFFE0C0  }
0x63: {  	[tilespmem:s18], [sflag:$0x3] =	stream.indirect.gather [hbm4b:s1+s13], $0x40, s11, s13, $0xb8;
	[tilespmem:$0x1EA00] =	vst v63  }
0x64: {  	_ =	swait.ge [sflag:s28], $0x1F40  }
0x65: {  	[sflag:s28] =	ssyncset.done $0x0  }
0x66: {  	s10 =	simm.s32 $0x580;
	[sflag:s28] =	ssyncadd.s32 $0xFFFFE0C0  }
0x67: {  	[tilespmem:s20], [sflag:$0x4] =	stream.indirect.gather [hbm4b:s1+s13], $0x40, s10, s13, $0xb8;
	[tilespmem:$0x1EA00] =	vst v63  }
0x68: {  	_ =	swait.ge [sflag:s5], $0x1F40  }
0x69: {  	[sflag:s5] =	ssyncset.done $0x0  }
0x6a: {  	s11 =	simm.s32 $0x600;
	[sflag:s5] =	ssyncadd.s32 $0xFFFFE0C0  }
0x6b: {  	[tilespmem:s22], [sflag:$0x5] =	stream.indirect.gather [hbm4b:s1+s13], $0x40, s11, s13, $0xb8;
	[tilespmem:$0x1EA00] =	vst v63  }
0x6c: {  	_ =	swait.ge [sflag:s6], $0x1F40  }
0x6d: {  	[sflag:s6] =	ssyncset.done $0x0  }
0x6e: {  	s10 =	simm.s32 $0x680;
	[sflag:s6] =	ssyncadd.s32 $0xFFFFE0C0  }
0x6f: {  	[tilespmem:s24], [sflag:$0x6] =	stream.indirect.gather [hbm4b:s1+s13], $0x40, s10, s13, $0xb8;
	[tilespmem:$0x1EA00] =	vst v63  }
0x70: {  	_ =	swait.ge [sflag:s7], $0x1F40  }
0x71: {  	[sflag:s7] =	ssyncset.done $0x0  }
0x72: {  	s11 =	simm.s32 $0x700;
	[sflag:s7] =	ssyncadd.s32 $0xFFFFE0C0  }
0x73: {  	[tilespmem:s26], [sflag:$0x7] =	stream.indirect.gather [hbm4b:s1+s13], $0x40, s11, s13, $0xb8;
	[tilespmem:$0x1EA00] =	vst v63  }
0x74: {  	_ =	swait.ge [sflag:s8], $0x1F40  }
0x75: {  	[sflag:s8] =	ssyncset.done $0x0  }
0x76: {  	s4 =	simm.s32 $0x780;
	s10 =	simm.s32 $0x1000;
	[sflag:s8] =	ssyncadd.s32 $0xFFFFE0C0  }
.LBB2_2:
0x77: {  	[tilespmem:s29], [sflag:$0x8] =	stream.indirect.gather [hbm4b:s1+s13], $0x40, s4, s13, $0xb8;
	[tilespmem:$0x1EA00] =	vst v63  }
0x78: {  	s4 =	smov.u32 s10  }
0x79: {  	p0 =	sne.s32 s10, $0x8000;
	s10 =	sadd.s32 $0x1000, s10;
	_ =	swait.ge [sflag:s30], $0x1F40  }
0x7a: {  	s4 =	sshra.s32 s4, $0x2;
	[sflag:s30] =	ssyncset.done $0x0  }
0x7b: {  	s11 =	sadd.s32 $0x2800, s4;
	[sflag:s30] =	ssyncadd.s32 $0xFFFFE0C0  }
0x7c: {  	[spmem:s3] =	stream.indirect.scatter.add.bf16 [tilespmem:s14], [sflag:$0x9], $0x40, s11, s13, $0xb8;
	[tilespmem:$0x1EA00] =	vst v63  }
0x7d: {  	_ =	swait.ge [sflag:s31], $0x1F40  }
0x7e: {  	[sflag:s31] =	ssyncset.done $0x0  }
0x7f: {  	s11 =	sadd.s32 $0x2880, s4;
	[sflag:s31] =	ssyncadd.s32 $0xFFFFE0C0  }
0x80: {  	[spmem:s3] =	stream.indirect.scatter.add.bf16 [tilespmem:s16], [sflag:$0xA], $0x40, s11, s13, $0xb8;
	[tilespmem:$0x1EA00] =	vst v63  }
0x81: {  	_ =	swait.ge [sflag:s2], $0x1F40  }
0x82: {  	[sflag:s2] =	ssyncset.done $0x0  }
0x83: {  	s11 =	sadd.s32 $0x2900, s4;
	[sflag:s2] =	ssyncadd.s32 $0xFFFFE0C0  }
0x84: {  	[spmem:s3] =	stream.indirect.scatter.add.bf16 [tilespmem:s18], [sflag:$0xB], $0x40, s11, s13, $0xb8;
	[tilespmem:$0x1EA00] =	vst v63  }
0x85: {  	_ =	swait.ge [sflag:s12], $0x1F40  }
0x86: {  	[sflag:s12] =	ssyncset.done $0x0  }
0x87: {  	s11 =	sadd.s32 $0x2980, s4;
	[sflag:s12] =	ssyncadd.s32 $0xFFFFE0C0  }
0x88: {  	[spmem:s3] =	stream.indirect.scatter.add.bf16 [tilespmem:s20], [sflag:$0xC], $0x40, s11, s13, $0xb8;
	[tilespmem:$0x1EA00] =	vst v63  }
0x89: {  	_ =	swait.ge [sflag:s15], $0x1F40  }
0x8a: {  	[sflag:s15] =	ssyncset.done $0x0  }
0x8b: {  	s11 =	sadd.s32 $0x2A00, s4;
	[sflag:s15] =	ssyncadd.s32 $0xFFFFE0C0  }
0x8c: {  	[spmem:s3] =	stream.indirect.scatter.add.bf16 [tilespmem:s22], [sflag:$0xD], $0x40, s11, s13, $0xb8;
	[tilespmem:$0x1EA00] =	vst v63  }
0x8d: {  	_ =	swait.ge [sflag:s0], $0x1F40  }
0x8e: {  	[sflag:s0] =	ssyncset.done $0x0  }
0x8f: {  	s11 =	sadd.s32 $0x2A80, s4;
	[sflag:s0] =	ssyncadd.s32 $0xFFFFE0C0  }
0x90: {  	[spmem:s3] =	stream.indirect.scatter.add.bf16 [tilespmem:s24], [sflag:$0xE], $0x40, s11, s13, $0xb8;
	[tilespmem:$0x1EA00] =	vst v63  }
0x91: {  	_ =	swait.ge [sflag:s17], $0x1F40  }
0x92: {  	[sflag:s17] =	ssyncset.done $0x0  }
0x93: {  	s11 =	sadd.s32 $0x2B00, s4;
	[sflag:s17] =	ssyncadd.s32 $0xFFFFE0C0  }
0x94: {  	[spmem:s3] =	stream.indirect.scatter.add.bf16 [tilespmem:s26], [sflag:$0xF], $0x40, s11, s13, $0xb8;
	[tilespmem:$0x1EA00] =	vst v63  }
0x95: {  	_ =	swait.ge [sflag:s19], $0x1F40  }
0x96: {  	[sflag:s19] =	ssyncset.done $0x0  }
0x97: {  	s11 =	sadd.s32 $0x2B80, s4;
	[sflag:s19] =	ssyncadd.s32 $0xFFFFE0C0  }
0x98: {  	[spmem:s3] =	stream.indirect.scatter.add.bf16 [tilespmem:s29], [sflag:$0x10], $0x40, s11, s13, $0xb8;
	[tilespmem:$0x1EA00] =	vst v63  }
0x99: {  	_ =	swait.ge [sflag:s21], $0x1F40  }
0x9a: {  	[sflag:s21] =	ssyncset.done $0x0  }
0x9b: {  	s11 =	sadd.s32 $0x400, s4;
	[sflag:s21] =	ssyncadd.s32 $0xFFFFE0C0  }
0x9c: {  	[tilespmem:s14], [sflag:$0x1] =	stream.indirect.gather [hbm4b:s1+s13], $0x40, s11, s13, $0xb8;
	[tilespmem:$0x1EA00] =	vst v63  }
0x9d: {  	_ =	swait.ge [sflag:s23], $0x1F40  }
0x9e: {  	[sflag:s23] =	ssyncset.done $0x0  }
0x9f: {  	s11 =	sadd.s32 $0x480, s4;
	[sflag:s23] =	ssyncadd.s32 $0xFFFFE0C0  }
0xa0: {  	[tilespmem:s16], [sflag:$0x2] =	stream.indirect.gather [hbm4b:s1+s13], $0x40, s11, s13, $0xb8;
	[tilespmem:$0x1EA00] =	vst v63  }
0xa1: {  	_ =	swait.ge [sflag:s25], $0x1F40  }
0xa2: {  	[sflag:s25] =	ssyncset.done $0x0  }
0xa3: {  	s11 =	sadd.s32 $0x500, s4;
	[sflag:s25] =	ssyncadd.s32 $0xFFFFE0C0  }
0xa4: {  	[tilespmem:s18], [sflag:$0x3] =	stream.indirect.gather [hbm4b:s1+s13], $0x40, s11, s13, $0xb8;
	[tilespmem:$0x1EA00] =	vst v63  }
0xa5: {  	_ =	swait.ge [sflag:s28], $0x1F40  }
0xa6: {  	[sflag:s28] =	ssyncset.done $0x0  }
0xa7: {  	s11 =	sadd.s32 $0x580, s4;
	[sflag:s28] =	ssyncadd.s32 $0xFFFFE0C0  }
0xa8: {  	[tilespmem:s20], [sflag:$0x4] =	stream.indirect.gather [hbm4b:s1+s13], $0x40, s11, s13, $0xb8;
	[tilespmem:$0x1EA00] =	vst v63  }
0xa9: {  	_ =	swait.ge [sflag:s5], $0x1F40  }
0xaa: {  	[sflag:s5] =	ssyncset.done $0x0  }
0xab: {  	s11 =	sadd.s32 $0x600, s4;
	[sflag:s5] =	ssyncadd.s32 $0xFFFFE0C0  }
0xac: {  	[tilespmem:s22], [sflag:$0x5] =	stream.indirect.gather [hbm4b:s1+s13], $0x40, s11, s13, $0xb8;
	[tilespmem:$0x1EA00] =	vst v63  }
0xad: {  	_ =	swait.ge [sflag:s6], $0x1F40  }
0xae: {  	[sflag:s6] =	ssyncset.done $0x0  }
0xaf: {  	s11 =	sadd.s32 $0x680, s4;
	[sflag:s6] =	ssyncadd.s32 $0xFFFFE0C0  }
0xb0: {  	[tilespmem:s24], [sflag:$0x6] =	stream.indirect.gather [hbm4b:s1+s13], $0x40, s11, s13, $0xb8;
	[tilespmem:$0x1EA00] =	vst v63  }
0xb1: {  	_ =	swait.ge [sflag:s7], $0x1F40  }
0xb2: {  	[sflag:s7] =	ssyncset.done $0x0  }
.Ltmp0:
0xb3: {  	s11 =	sadd.s32 $0x700, s4;
	[sflag:s7] =	ssyncadd.s32 $0xFFFFE0C0;
	(pc) =	sbr.rel @p0 .LBB2_2-.Ltmp0, $4  }
0xb4: {  	[tilespmem:s26], [sflag:$0x7] =	stream.indirect.gather [hbm4b:s1+s13], $0x40, s11, s13, $0xb8;
	[tilespmem:$0x1EA00] =	vst v63  }
0xb5: {  	_ =	swait.ge [sflag:s8], $0x1F40  }
0xb6: {  	[sflag:s8] =	ssyncset.done $0x0  }
0xb7: {  	s4 =	sadd.s32 $0x780, s4;
	[sflag:s8] =	ssyncadd.s32 $0xFFFFE0C0  }
0xb8: {  	[tilespmem:s29], [sflag:$0x8] =	stream.indirect.gather [hbm4b:s1+s13], $0x40, s4, s13, $0xb8;
	[tilespmem:$0x1EA00] =	vst v63  }
0xb9: {  	_ =	swait.ge [sflag:s30], $0x1F40  }
0xba: {  	[sflag:s30] =	ssyncset.done $0x0  }
0xbb: {  	s11 =	simm.s32 $0x4C00;
	[sflag:s30] =	ssyncadd.s32 $0xFFFFE0C0  }
0xbc: {  	[spmem:s3] =	stream.indirect.scatter.add.bf16 [tilespmem:s14], [sflag:$0x9], $0x40, s11, s13, $0xb8;
	[tilespmem:$0x1EA00] =	vst v63  }
0xbd: {  	_ =	swait.ge [sflag:s31], $0x1F40  }
0xbe: {  	[sflag:s31] =	ssyncset.done $0x0  }
0xbf: {  	s10 =	simm.s32 $0x4C80;
	[sflag:s31] =	ssyncadd.s32 $0xFFFFE0C0  }
0xc0: {  	[spmem:s3] =	stream.indirect.scatter.add.bf16 [tilespmem:s16], [sflag:$0xA], $0x40, s10, s13, $0xb8;
	[tilespmem:$0x1EA00] =	vst v63  }
0xc1: {  	_ =	swait.ge [sflag:s2], $0x1F40  }
0xc2: {  	[sflag:s2] =	ssyncset.done $0x0  }
0xc3: {  	s11 =	simm.s32 $0x4D00;
	[sflag:s2] =	ssyncadd.s32 $0xFFFFE0C0  }
0xc4: {  	[spmem:s3] =	stream.indirect.scatter.add.bf16 [tilespmem:s18], [sflag:$0xB], $0x40, s11, s13, $0xb8;
	[tilespmem:$0x1EA00] =	vst v63  }
0xc5: {  	_ =	swait.ge [sflag:s12], $0x1F40  }
0xc6: {  	[sflag:s12] =	ssyncset.done $0x0  }
0xc7: {  	s10 =	simm.s32 $0x4D80;
	[sflag:s12] =	ssyncadd.s32 $0xFFFFE0C0  }
0xc8: {  	[spmem:s3] =	stream.indirect.scatter.add.bf16 [tilespmem:s20], [sflag:$0xC], $0x40, s10, s13, $0xb8;
	[tilespmem:$0x1EA00] =	vst v63  }
0xc9: {  	_ =	swait.ge [sflag:s15], $0x1F40  }
0xca: {  	[sflag:s15] =	ssyncset.done $0x0  }
0xcb: {  	s11 =	simm.s32 $0x4E00;
	[sflag:s15] =	ssyncadd.s32 $0xFFFFE0C0  }
0xcc: {  	[spmem:s3] =	stream.indirect.scatter.add.bf16 [tilespmem:s22], [sflag:$0xD], $0x40, s11, s13, $0xb8;
	[tilespmem:$0x1EA00] =	vst v63  }
0xcd: {  	_ =	swait.ge [sflag:s0], $0x1F40  }
0xce: {  	[sflag:s0] =	ssyncset.done $0x0  }
0xcf: {  	s10 =	simm.s32 $0x4E80;
	[sflag:s0] =	ssyncadd.s32 $0xFFFFE0C0  }
0xd0: {  	[spmem:s3] =	stream.indirect.scatter.add.bf16 [tilespmem:s24], [sflag:$0xE], $0x40, s10, s13, $0xb8;
	[tilespmem:$0x1EA00] =	vst v63  }
0xd1: {  	_ =	swait.ge [sflag:s17], $0x1F40  }
0xd2: {  	[sflag:s17] =	ssyncset.done $0x0  }
0xd3: {  	s11 =	simm.s32 $0x4F00;
	[sflag:s17] =	ssyncadd.s32 $0xFFFFE0C0  }
0xd4: {  	[spmem:s3] =	stream.indirect.scatter.add.bf16 [tilespmem:s26], [sflag:$0xF], $0x40, s11, s13, $0xb8;
	[tilespmem:$0x1EA00] =	vst v63  }
0xd5: {  	_ =	swait.ge [sflag:s19], $0x1F40  }
0xd6: {  	[sflag:s19] =	ssyncset.done $0x0  }
0xd7: {  	s10 =	simm.s32 $0x4F80;
	[sflag:s19] =	ssyncadd.s32 $0xFFFFE0C0  }
0xd8: {  	[spmem:s3] =	stream.indirect.scatter.add.bf16 [tilespmem:s29], [sflag:$0x10], $0x40, s10, s13, $0xb8;
	[tilespmem:$0x1EA00] =	vst v63  }
0xd9: {  	_ =	swait.ge [sflag:s21], $0x1F40  }
0xda: {  	[sflag:s21] =	ssyncset.done $0x0  }
0xdb: {  	[sflag:s21] =	ssyncadd.s32 $0xFFFFE0C0  }
0xdc: {  	_ =	swait.ge [sflag:s23], $0x1F40  }
0xdd: {  	[sflag:s23] =	ssyncset.done $0x0  }
0xde: {  	[sflag:s23] =	ssyncadd.s32 $0xFFFFE0C0  }
0xdf: {  	_ =	swait.ge [sflag:s25], $0x1F40  }
0xe0: {  	[sflag:s25] =	ssyncset.done $0x0  }
0xe1: {  	[sflag:s25] =	ssyncadd.s32 $0xFFFFE0C0  }
0xe2: {  	_ =	swait.ge [sflag:s28], $0x1F40  }
0xe3: {  	[sflag:s28] =	ssyncset.done $0x0  }
0xe4: {  	[sflag:s28] =	ssyncadd.s32 $0xFFFFE0C0  }
0xe5: {  	_ =	swait.ge [sflag:s5], $0x1F40  }
0xe6: {  	[sflag:s5] =	ssyncset.done $0x0  }
0xe7: {  	[sflag:s5] =	ssyncadd.s32 $0xFFFFE0C0  }
0xe8: {  	_ =	swait.ge [sflag:s6], $0x1F40  }
0xe9: {  	[sflag:s6] =	ssyncset.done $0x0  }
0xea: {  	[sflag:s6] =	ssyncadd.s32 $0xFFFFE0C0  }
0xeb: {  	_ =	swait.ge [sflag:s7], $0x1F40  }
0xec: {  	[sflag:s7] =	ssyncset.done $0x0  }
0xed: {  	[sflag:s7] =	ssyncadd.s32 $0xFFFFE0C0  }
0xee: {  	_ =	swait.ge [sflag:s8], $0x1F40  }
0xef: {  	[sflag:s8] =	ssyncset.done $0x0  }
0xf0: {  	[sflag:s8] =	ssyncadd.s32 $0xFFFFE0C0  }
0xf1: {  	[bflag:$0x0] =	sbarrier.arrive $0xFFFF  }
0xf2: {  	s11 =	rddreg [dreg:$0x8]  }
0xf3: {  	s10 =	rddreg [dreg:$0xb]  }
0xf4: {  	[hbm:s11], [sflag:s9] =	dma.local [spmem:s10], $0x1400  }
0xf5: {  	s11 =	simm.s32 $0x11  }
0xf6: {  	_ =	swait.ge [sflag:s11], $0x1400  }
0xf7: {  	s4 =	rddreg [dreg:$0xa]  }
0xf8: {  	s10 =	rddreg [dreg:$0x9];
	s9 =	sadd.s32 $0x1, s4  }
0xf9: {  	p0 =	sne.s32 s9, s10  }
.Ltmp1:
0xfa: {  	_ = 	snop;
	(pc) =	sbr.rel @p0 .LBB2_1-.Ltmp1, $3  }
0xfb: {  	_ =	sdelay $0x1  }
0xfc: {  	[sflag:s11] =	ssyncset.done $0x0  }
0xfd: {  	[sflag:s11] =	ssyncadd.s32 $0xFFFFEC00  }
0xfe: {  	_ =	sfence.sel $0x180000  }
0xff: {  	[bflag:$0x0] =	sbarrier.arrive $0xFFFF  }
0x100: {  	_ =	strace $0x90000047  }
0x101: {  	s0 =	stileid.u32;
	[bflag:$0x2] =	sbarrier.arrive $0xFFFF  }
0x102: {  	p0 =	sne.s32 s0, $0x0;
	s0 =	rddreg [dreg:$0x3]  }
0x103: {  	s0 =	sadd.s32 @!p0 $0x100000, s0  }
0x104: {  	[sflag:s0] =	ssyncadd.tile.s32 @!p0 $0x1;
	_ =	shalt  }
.Lfunc_end2:
_tile_overlayer_lowered:
.L_overlay_start_2:
0x105: {  	(tag) =	ssettag $0x2  }
0x106: {  	s0 =	rddreg [dreg:$0x0];
	s2 =	stileid.u32  }
0x107: {  	s1 =	rddreg [dreg:$0x1];
	p0 =	sne.s32 s2, $0x0  }
0x108: {  	s3 =	rddreg [dreg:$0x2];
	[bflag:$0x3] =	sbarrier.arrive $0xFFFF;
	s2 =	simm.s32 @!p0 $0x1C11  }
0x109: {  	[timem:s3], [sflag:s2] =	dma.local @!p0 [hbm:s0], s1  }
0x10a: {  	s0 =	simm.s32 @!p0 $0x11  }
0x10b: {  	_ =	swait.ge @!p0 [sflag:s0], s1  }
0x10c: {  	s1 =	ssub.s32 @!p0 $0x0, s1;
	[sflag:s0] =	ssyncset.done @!p0 $0x0  }
0x10d: {  	[sflag:s0] =	ssyncadd.s32 @!p0 s1  }
0x10e: {  	[bflag:$0x3] =	sbarrier.arrive $0xFFFF  }
0x10f: {  	_ =	shalt  }

</sc_bundles>
